<compile_context>
chip_gen: v7x
topology: tpu7x:2x2x1
jax: 0.10.2.dev20260603
libtpu: 0.0.44.dev20260713+nightly
codegen_flags: <defaults>
</compile_context>

<pallas_src>
import functools

import jax
import jax.numpy as jnp
from jax import lax
from jax.experimental import pallas as pl
from jax.experimental.pallas import tpu as pltpu
from jax.experimental.pallas import tpu_sc as plsc

B = 16384
F = 26
V = 100000
D = 32
C = 16

NC, NS = 2, 16
NW = NC * NS
FD = F * D
PAIRS_W = FD // NW
QUART = B // 4
LANES = 16
NCHAIN = 8


def _make_gather():
    mesh = plsc.VectorSubcoreMesh(core_axis_name="c", subcore_axis_name="s")

    @functools.partial(
        pl.kernel,
        mesh=mesh,
        compiler_params=pltpu.CompilerParams(
            use_tc_tiling_on_sc=True, needs_layout_passes=False),
        out_type=jax.ShapeDtypeStruct((FD, B), jnp.float32),
        scratch_types=[
            pltpu.VMEM((V,), jnp.float32),
            pltpu.VMEM((B,), jnp.int32),
            pltpu.VMEM((QUART,), jnp.float32),
            pltpu.VMEM((QUART,), jnp.float32),
            pltpu.SemaphoreType.DMA,
            pltpu.SemaphoreType.DMA,
            pltpu.SemaphoreType.DMA,
        ],
    )
    def gather_kernel(tbl_hbm, idx_hbm, out_hbm,
                      col_v, idx_v, g0, g1, sem_c, sem_w0, sem_w1):
        wid = lax.axis_index("s") * NC + lax.axis_index("c")
        bufs = (g0, g1)
        sems = (sem_w0, sem_w1)

        def pair_body(p, prev_f):
            fd = wid * PAIRS_W + p
            f = fd // D
            ccol = pltpu.make_async_copy(tbl_hbm.at[f, fd % D], col_v, sem_c)
            ccol.start()

            @pl.when(f != prev_f)
            def _():
                pltpu.sync_copy(idx_hbm.at[f], idx_v)

            ccol.wait()

            for q in range(4):
                buf, sem = bufs[q % 2], sems[q % 2]

                @pl.when(p * 4 + q >= 2)
                def _():
                    pltpu.make_async_copy(
                        buf, out_hbm.at[fd, pl.ds(0, QUART)], sem).wait()

                base = q * QUART
                blk = LANES * NCHAIN

                def gather_blk(j, carry, base=base, buf=buf):
                    o = j * blk
                    ivs = [idx_v[pl.ds(base + o + k * LANES, LANES)]
                           for k in range(NCHAIN)]
                    vals = [plsc.load_gather(col_v, [iv]) for iv in ivs]
                    for k in range(NCHAIN):
                        buf[pl.ds(o + k * LANES, LANES)] = vals[k]
                    return carry

                lax.fori_loop(0, QUART // blk, gather_blk, 0, unroll=2)
                pltpu.make_async_copy(
                    buf, out_hbm.at[fd, pl.ds(base, QUART)], sem).start()
            return f

        lax.fori_loop(0, PAIRS_W, pair_body, -1)
        pltpu.make_async_copy(g0, out_hbm.at[0, pl.ds(0, QUART)], sem_w0).wait()
        pltpu.make_async_copy(g1, out_hbm.at[0, pl.ds(0, QUART)], sem_w1).wait()

    return gather_kernel


@functools.cache
def _gather_fn():
    return _make_gather()


BB = 2048


def _combine_kernel(x_ref, c_ref, w1_ref, w2_ref, b_ref, o_ref):
    acc = lax.dot_general(w1_ref[...], x_ref[...],
                          (((1,), (0,)), ((), ())),
                          preferred_element_type=jnp.float32)
    acc += lax.dot_general(w2_ref[...], c_ref[...],
                           (((1,), (0,)), ((), ())),
                           preferred_element_type=jnp.float32)
    acc += b_ref[...]
    o_ref[...] = jnp.where(acc >= 0, acc, 0.5 * acc)


def _combine(emb_t, cont_t, w1, w2, bias_col):
    return pl.pallas_call(
        _combine_kernel,
        grid=(B // BB,),
        in_specs=[
            pl.BlockSpec((FD, BB), lambda i: (0, i)),
            pl.BlockSpec((C, BB), lambda i: (0, i)),
            pl.BlockSpec((D, FD), lambda i: (0, 0)),
            pl.BlockSpec((D, C), lambda i: (0, 0)),
            pl.BlockSpec((D, 1), lambda i: (0, 0)),
        ],
        out_specs=pl.BlockSpec((D, BB), lambda i: (0, i)),
        out_shape=jax.ShapeDtypeStruct((D, B), jnp.float32),
    )(emb_t, cont_t, w1, w2, bias_col)


def kernel(cat_indices, cont, tables, W, b):
    tables_t = jnp.transpose(tables, (0, 2, 1))
    idx_t = jnp.transpose(cat_indices, (1, 0))
    cont_t = jnp.transpose(cont, (1, 0))
    emb_t = _gather_fn()(tables_t, idx_t)
    w1 = W[:, :FD]
    w2 = W[:, FD:]
    out_t = _combine(emb_t, cont_t, w1, w2, b[:, None])
    return jnp.transpose(out_t, (1, 0))

# --- scband reference (transcript-rebuilt; emitter-appended) ---
"""Pipeline reference for scband-data-source-embedder-29489245455024 (READ-ONLY COPY).

The authoritative reference and input builder live on the scoring server;
editing this copy changes nothing except your own understanding.
"""

import jax, jax.numpy as jnp
import numpy as np

B = 16384   # batch
F = 26      # number of categorical fields (one nn.Embedding per field)
V = 100000  # vocab per field
D = 32      # embedding_size
C = 16      # number of continuous columns


def setup_inputs(seed: int = 0) -> dict:
    key = jax.random.key(seed)
    k1, k2, k3, k4 = jax.random.split(key, 4)
    cat_indices = jax.random.randint(k1, (B, F), 0, V, dtype=jnp.int32)
    cont = jax.random.normal(k2, (B, C), dtype=jnp.float32)
    # one embedding table per categorical column, stacked: [F, V, D]
    tables = jax.random.normal(k3, (F, V, D), dtype=jnp.float32) * 0.01
    # combiner Linear(F*D + C, D): torch stores W as [out, in]
    W = jax.random.normal(k4, (D, F * D + C), dtype=jnp.float32) * 0.02
    b = jnp.zeros((D,), dtype=jnp.float32)
    return {"cat_indices": cat_indices, "cont": cont, "tables": tables, "W": W, "b": b}


def reference(cat_indices, cont, tables, W, b):
    # per-field embedding lookup: for each field f, tables[f][cat_indices[:, f]] -> [B, F, D]
    emb = jax.vmap(lambda t, idx: jnp.take(t, idx, axis=0), in_axes=(0, 1), out_axes=1)(tables, cat_indices)
    flat = emb.reshape(emb.shape[0], -1)              # [B, F*D]  (torch.cat of per-col embeddings)
    x = jnp.concatenate([flat, cont], axis=1)         # append continuous features
    x = x @ W.T + b                                   # combiner Linear
    x = jnp.where(x >= 0, x, 0.5 * x)                 # F.leaky_relu(x, 0.5)
    return x

if __name__ == "__main__":
    import jax
    _d = setup_inputs()
    print(jax.jit(kernel)(*tuple(_d.values())))

</pallas_src>

<mosaic_0001>
#map = affine_map<(d0, d1) -> (0, 0, 0)>
#map1 = affine_map<(d0, d1) -> (0, 0)>
module attributes {stable_mosaic.version = 14 : i64} {
  func.func @gather_kernel(%arg0: i32, %arg1: i32, %arg2: memref<26x32x100000xf32, #tpu.memory_space<hbm>>, %arg3: memref<26x16384xi32, #tpu.memory_space<hbm>>, %arg4: memref<832x16384xf32, #tpu.memory_space<hbm>>, %arg5: memref<100000xf32, #tpu.memory_space<vmem>>, %arg6: memref<16384xi32, #tpu.memory_space<vmem>>, %arg7: memref<4096xf32, #tpu.memory_space<vmem>>, %arg8: memref<4096xf32, #tpu.memory_space<vmem>>, %arg9: memref<!tpu.dma_semaphore, #tpu.memory_space<semaphore_mem>>, %arg10: memref<!tpu.dma_semaphore, #tpu.memory_space<semaphore_mem>>, %arg11: memref<!tpu.dma_semaphore, #tpu.memory_space<semaphore_mem>>) attributes {dimension_semantics = [#tpu.dimension_semantics<core_parallel>, #tpu.dimension_semantics<subcore_parallel>], iteration_bounds = array<i64: 2, 16>, scalar_prefetch = 0 : i64, scratch_operands = 7 : i64, tpu.core_type = #tpu.core_type<sc_vector_subcore>, window_params = [{transform_indices = #map}, {transform_indices = #map1}, {transform_indices = #map1}]} {
    %mul3A = arith.constant 2 : i32
    %mul3A_0 = arith.muli %arg1, %mul3A : i32
    %add3A = arith.addi %mul3A_0, %arg0 : i32
    %scan3A = arith.constant -1 : i32
    %scan3A_1 = arith.constant 0 : i32
    %scan3A_2 = arith.constant 26 : i32
    %scan3A_3 = arith.addi %scan3A_1, %scan3A_2 : i32
    %scan3A_4 = arith.constant 1 : i32
    %scan3A_5 = scf.for %scan3A_20 = %scan3A_1 to %scan3A_3 step %scan3A_4 iter_args(%scan3A_21 = %scan3A) -> (i32)  : i32 {
      %mul3A_22 = arith.constant 26 : i32
      %mul3A_23 = arith.muli %add3A, %mul3A_22 : i32
      %add3A_24 = arith.addi %mul3A_23, %scan3A_20 : i32
      %jit3A = arith.constant 32 : i32
      %div3A = arith.divsi %add3A_24, %jit3A : i32
      %sign3A = arith.constant 0 : i32
      %sign3A_25 = arith.cmpi sgt, %add3A_24, %sign3A : i32
      %sign3A_26 = arith.extui %sign3A_25 : i1 to i32
      %sign3A_27 = arith.constant 0 : i32
      %sign3A_28 = arith.cmpi slt, %add3A_24, %sign3A_27 : i32
      %sign3A_29 = arith.extui %sign3A_28 : i1 to i32
      %sign3A_30 = arith.subi %sign3A_26, %sign3A_29 : i32
      %sign3A_31 = arith.constant 0 : i32
      %sign3A_32 = arith.cmpi sgt, %jit3A, %sign3A_31 : i32
      %sign3A_33 = arith.extui %sign3A_32 : i1 to i32
      %sign3A_34 = arith.constant 0 : i32
      %sign3A_35 = arith.cmpi slt, %jit3A, %sign3A_34 : i32
      %sign3A_36 = arith.extui %sign3A_35 : i1 to i32
      %sign3A_37 = arith.subi %sign3A_33, %sign3A_36 : i32
      %ne3A = arith.cmpi ne, %sign3A_30, %sign3A_37 : i32
      %rem3A = arith.remsi %add3A_24, %jit3A : i32
      %ne3A_38 = arith.constant 0 : i32
      %ne3A_39 = arith.cmpi ne, %rem3A, %ne3A_38 : i32
      %and3A = arith.andi %ne3A, %ne3A_39 : i1
      %sub3A = arith.constant 1 : i32
      %sub3A_40 = arith.subi %div3A, %sub3A : i32
      %select_n3A = arith.select %and3A, %sub3A_40, %div3A : i32
      %jit3A_41 = arith.constant 32 : i32
      %eq3A = arith.constant 0 : i32
      %eq3A_42 = arith.cmpi eq, %jit3A_41, %eq3A : i32
      %jit3A_43 = arith.constant 1 : i32
      %select_n3A_44 = arith.select %eq3A_42, %jit3A_43, %jit3A_41 : i32
      %rem3A_45 = arith.remsi %add3A_24, %select_n3A_44 : i32
      %ne3A_46 = arith.constant 0 : i32
      %ne3A_47 = arith.cmpi ne, %rem3A_45, %ne3A_46 : i32
      %lt3A = arith.constant 0 : i32
      %lt3A_48 = arith.cmpi slt, %rem3A_45, %lt3A : i32
      %lt3A_49 = arith.constant 0 : i32
      %lt3A_50 = arith.cmpi slt, %select_n3A_44, %lt3A_49 : i32
      %ne3A_51 = arith.xori %lt3A_48, %lt3A_50 : i1
      %and3A_52 = arith.andi %ne3A_51, %ne3A_47 : i1
      %add3A_53 = arith.addi %rem3A_45, %select_n3A_44 : i32
      %select_n3A_54 = arith.select %and3A_52, %add3A_53, %rem3A_45 : i32
      %dma_start3A = arith.constant 0 : i32
      %dma_start3A_55 = tpu.memref_slice %arg2[%select_n3A, %select_n3A_54, %dma_start3A] : memref<26x32x100000xf32, #tpu.memory_space<hbm>> -> memref<1x1x100000xf32, #tpu.memory_space<hbm>>
      %dma_start3A_56 = tpu.memref_squeeze %dma_start3A_55 : memref<1x1x100000xf32, #tpu.memory_space<hbm>> -> memref<100000xf32, #tpu.memory_space<hbm>>
      %dma_start3A_57 = arith.constant 0 : i32
      %dma_start3A_58 = tpu.memref_slice %arg2[%select_n3A, %select_n3A_54, %dma_start3A_57] : memref<26x32x100000xf32, #tpu.memory_space<hbm>> -> memref<1x1x100000xf32, #tpu.memory_space<hbm>>
      %dma_start3A_59 = tpu.memref_squeeze %dma_start3A_58 : memref<1x1x100000xf32, #tpu.memory_space<hbm>> -> memref<100000xf32, #tpu.memory_space<hbm>>
      tpu.enqueue_dma source(%dma_start3A_59 : memref<100000xf32, #tpu.memory_space<hbm>>) target(%arg5 : memref<100000xf32, #tpu.memory_space<vmem>>) target_semaphore(%arg9 : memref<!tpu.dma_semaphore, #tpu.memory_space<semaphore_mem>>)
      %ne3A_60 = arith.cmpi ne, %select_n3A, %scan3A_21 : i32
      %convert_element_type3A = arith.extui %ne3A_60 : i1 to i32
      %cond3A = arith.constant 0 : i32
      %cond3A_61 = arith.cmpi ne, %convert_element_type3A, %cond3A : i32
      scf.if %cond3A_61 {
        "tpu.region"() ({
          %run_scoped3A = tpu.sem_alloc : memref<!tpu.dma_semaphore, #tpu.memory_space<semaphore_mem>>
          %dma_start3A_151 = arith.constant 0 : i32
          %dma_start3A_152 = tpu.memref_slice %arg3[%select_n3A, %dma_start3A_151] : memref<26x16384xi32, #tpu.memory_space<hbm>> -> memref<1x16384xi32, #tpu.memory_space<hbm>>
          %dma_start3A_153 = tpu.memref_squeeze %dma_start3A_152 : memref<1x16384xi32, #tpu.memory_space<hbm>> -> memref<16384xi32, #tpu.memory_space<hbm>>
          %dma_start3A_154 = arith.constant 0 : i32
          %dma_start3A_155 = tpu.memref_slice %arg3[%select_n3A, %dma_start3A_154] : memref<26x16384xi32, #tpu.memory_space<hbm>> -> memref<1x16384xi32, #tpu.memory_space<hbm>>
          %dma_start3A_156 = tpu.memref_squeeze %dma_start3A_155 : memref<1x16384xi32, #tpu.memory_space<hbm>> -> memref<16384xi32, #tpu.memory_space<hbm>>
          tpu.enqueue_dma source(%dma_start3A_156 : memref<16384xi32, #tpu.memory_space<hbm>>) target(%arg6 : memref<16384xi32, #tpu.memory_space<vmem>>) target_semaphore(%run_scoped3A : memref<!tpu.dma_semaphore, #tpu.memory_space<semaphore_mem>>)
          %dma_wait3A_157 = arith.constant 0 : i32
          %dma_wait3A_158 = tpu.memref_slice %arg3[%select_n3A, %dma_wait3A_157] : memref<26x16384xi32, #tpu.memory_space<hbm>> -> memref<1x16384xi32, #tpu.memory_space<hbm>>
          %dma_wait3A_159 = tpu.memref_squeeze %dma_wait3A_158 : memref<1x16384xi32, #tpu.memory_space<hbm>> -> memref<16384xi32, #tpu.memory_space<hbm>>
          %dma_wait3A_160 = arith.constant 0 : i32
          %dma_wait3A_161 = tpu.memref_slice %arg3[%select_n3A, %dma_wait3A_160] : memref<26x16384xi32, #tpu.memory_space<hbm>> -> memref<1x16384xi32, #tpu.memory_space<hbm>>
          %dma_wait3A_162 = tpu.memref_squeeze %dma_wait3A_161 : memref<1x16384xi32, #tpu.memory_space<hbm>> -> memref<16384xi32, #tpu.memory_space<hbm>>
          tpu.wait_dma2 semaphore(%run_scoped3A : memref<!tpu.dma_semaphore, #tpu.memory_space<semaphore_mem>>) src(%dma_wait3A_162 : memref<16384xi32, #tpu.memory_space<hbm>>) dst(%arg6 : memref<16384xi32, #tpu.memory_space<vmem>>)
          tpu.yield
        }) : () -> ()
      } else {
      }
      %dma_wait3A_62 = arith.constant 0 : i32
      %dma_wait3A_63 = tpu.memref_slice %arg2[%select_n3A, %select_n3A_54, %dma_wait3A_62] : memref<26x32x100000xf32, #tpu.memory_space<hbm>> -> memref<1x1x100000xf32, #tpu.memory_space<hbm>>
      %dma_wait3A_64 = tpu.memref_squeeze %dma_wait3A_63 : memref<1x1x100000xf32, #tpu.memory_space<hbm>> -> memref<100000xf32, #tpu.memory_space<hbm>>
      %dma_wait3A_65 = arith.constant 0 : i32
      %dma_wait3A_66 = tpu.memref_slice %arg2[%select_n3A, %select_n3A_54, %dma_wait3A_65] : memref<26x32x100000xf32, #tpu.memory_space<hbm>> -> memref<1x1x100000xf32, #tpu.memory_space<hbm>>
      %dma_wait3A_67 = tpu.memref_squeeze %dma_wait3A_66 : memref<1x1x100000xf32, #tpu.memory_space<hbm>> -> memref<100000xf32, #tpu.memory_space<hbm>>
      tpu.wait_dma2 semaphore(%arg9 : memref<!tpu.dma_semaphore, #tpu.memory_space<semaphore_mem>>) src(%dma_wait3A_67 : memref<100000xf32, #tpu.memory_space<hbm>>) dst(%arg5 : memref<100000xf32, #tpu.memory_space<vmem>>)
      %mul3A_68 = arith.constant 4 : i32
      %mul3A_69 = arith.muli %scan3A_20, %mul3A_68 : i32
      %add3A_70 = arith.constant 0 : i32
      %add3A_71 = arith.addi %mul3A_69, %add3A_70 : i32
      %ge3A = arith.constant 2 : i32
      %ge3A_72 = arith.cmpi sge, %add3A_71, %ge3A : i32
      %convert_element_type3A_73 = arith.extui %ge3A_72 : i1 to i32
      %cond3A_74 = arith.constant 0 : i32
      %cond3A_75 = arith.cmpi ne, %convert_element_type3A_73, %cond3A_74 : i32
      scf.if %cond3A_75 {
        %dma_wait3A_151 = arith.constant 0 : i32
        %dma_wait3A_152 = tpu.memref_slice %arg4[%add3A_24, %dma_wait3A_151] : memref<832x16384xf32, #tpu.memory_space<hbm>> -> memref<1x4096xf32, #tpu.memory_space<hbm>>
        %dma_wait3A_153 = tpu.memref_squeeze %dma_wait3A_152 : memref<1x4096xf32, #tpu.memory_space<hbm>> -> memref<4096xf32, #tpu.memory_space<hbm>>
        %dma_wait3A_154 = arith.constant 0 : i32
        %dma_wait3A_155 = tpu.memref_slice %arg4[%add3A_24, %dma_wait3A_154] : memref<832x16384xf32, #tpu.memory_space<hbm>> -> memref<1x4096xf32, #tpu.memory_space<hbm>>
        %dma_wait3A_156 = tpu.memref_squeeze %dma_wait3A_155 : memref<1x4096xf32, #tpu.memory_space<hbm>> -> memref<4096xf32, #tpu.memory_space<hbm>>
        tpu.wait_dma2 semaphore(%arg10 : memref<!tpu.dma_semaphore, #tpu.memory_space<semaphore_mem>>) src(%arg7 : memref<4096xf32, #tpu.memory_space<vmem>>) dst(%dma_wait3A_156 : memref<4096xf32, #tpu.memory_space<hbm>>)
      } else {
      }
      %scan3A_76 = arith.constant 0 : i32
      %scan3A_77 = arith.constant 0 : i32
      %scan3A_78 = arith.constant 32 : i32
      %scan3A_79 = arith.addi %scan3A_77, %scan3A_78 : i32
      %scan3A_80 = arith.constant 2 : i32
      scf.for %scan3A_151 = %scan3A_77 to %scan3A_79 step %scan3A_80  : i32 {
        %mul3A_152 = arith.constant 128 : i32
        %mul3A_153 = arith.muli %scan3A_151, %mul3A_152 : i32
        %add3A_154 = arith.constant 0 : i32
        %add3A_155 = arith.addi %add3A_154, %mul3A_153 : i32
        %add3A_156 = arith.constant 0 : i32
        %add3A_157 = arith.addi %add3A_155, %add3A_156 : i32
        %get3A = arith.index_cast %add3A_157 : i32 to index
        %get3A_158 = tpu.vector_load %arg6[%get3A] {strides = array<i32>} : memref<16384xi32, #tpu.memory_space<vmem>>, vector<16xi32>,
        %add3A_159 = arith.constant 0 : i32
        %add3A_160 = arith.addi %add3A_159, %mul3A_153 : i32
        %add3A_161 = arith.constant 16 : i32
        %add3A_162 = arith.addi %add3A_160, %add3A_161 : i32
        %get3A_163 = arith.index_cast %add3A_162 : i32 to index
        %get3A_164 = tpu.vector_load %arg6[%get3A_163] {strides = array<i32>} : memref<16384xi32, #tpu.memory_space<vmem>>, vector<16xi32>,
        %add3A_165 = arith.constant 0 : i32
        %add3A_166 = arith.addi %add3A_165, %mul3A_153 : i32
        %add3A_167 = arith.constant 32 : i32
        %add3A_168 = arith.addi %add3A_166, %add3A_167 : i32
        %get3A_169 = arith.index_cast %add3A_168 : i32 to index
        %get3A_170 = tpu.vector_load %arg6[%get3A_169] {strides = array<i32>} : memref<16384xi32, #tpu.memory_space<vmem>>, vector<16xi32>,
        %add3A_171 = arith.constant 0 : i32
        %add3A_172 = arith.addi %add3A_171, %mul3A_153 : i32
        %add3A_173 = arith.constant 48 : i32
        %add3A_174 = arith.addi %add3A_172, %add3A_173 : i32
        %get3A_175 = arith.index_cast %add3A_174 : i32 to index
        %get3A_176 = tpu.vector_load %arg6[%get3A_175] {strides = array<i32>} : memref<16384xi32, #tpu.memory_space<vmem>>, vector<16xi32>,
        %add3A_177 = arith.constant 0 : i32
        %add3A_178 = arith.addi %add3A_177, %mul3A_153 : i32
        %add3A_179 = arith.constant 64 : i32
        %add3A_180 = arith.addi %add3A_178, %add3A_179 : i32
        %get3A_181 = arith.index_cast %add3A_180 : i32 to index
        %get3A_182 = tpu.vector_load %arg6[%get3A_181] {strides = array<i32>} : memref<16384xi32, #tpu.memory_space<vmem>>, vector<16xi32>,
        %add3A_183 = arith.constant 0 : i32
        %add3A_184 = arith.addi %add3A_183, %mul3A_153 : i32
        %add3A_185 = arith.constant 80 : i32
        %add3A_186 = arith.addi %add3A_184, %add3A_185 : i32
        %get3A_187 = arith.index_cast %add3A_186 : i32 to index
        %get3A_188 = tpu.vector_load %arg6[%get3A_187] {strides = array<i32>} : memref<16384xi32, #tpu.memory_space<vmem>>, vector<16xi32>,
        %add3A_189 = arith.constant 0 : i32
        %add3A_190 = arith.addi %add3A_189, %mul3A_153 : i32
        %add3A_191 = arith.constant 96 : i32
        %add3A_192 = arith.addi %add3A_190, %add3A_191 : i32
        %get3A_193 = arith.index_cast %add3A_192 : i32 to index
        %get3A_194 = tpu.vector_load %arg6[%get3A_193] {strides = array<i32>} : memref<16384xi32, #tpu.memory_space<vmem>>, vector<16xi32>,
        %add3A_195 = arith.constant 0 : i32
        %add3A_196 = arith.addi %add3A_195, %mul3A_153 : i32
        %add3A_197 = arith.constant 112 : i32
        %add3A_198 = arith.addi %add3A_196, %add3A_197 : i32
        %get3A_199 = arith.index_cast %add3A_198 : i32 to index
        %get3A_200 = tpu.vector_load %arg6[%get3A_199] {strides = array<i32>} : memref<16384xi32, #tpu.memory_space<vmem>>, vector<16xi32>,
        %gather3A = tpu.vector_load_idx %arg5[%get3A_158] : memref<100000xf32, #tpu.memory_space<vmem>>[vector<16xi32>], vector<16xf32>,
        %gather3A_201 = tpu.vector_load_idx %arg5[%get3A_164] : memref<100000xf32, #tpu.memory_space<vmem>>[vector<16xi32>], vector<16xf32>,
        %gather3A_202 = tpu.vector_load_idx %arg5[%get3A_170] : memref<100000xf32, #tpu.memory_space<vmem>>[vector<16xi32>], vector<16xf32>,
        %gather3A_203 = tpu.vector_load_idx %arg5[%get3A_176] : memref<100000xf32, #tpu.memory_space<vmem>>[vector<16xi32>], vector<16xf32>,
        %gather3A_204 = tpu.vector_load_idx %arg5[%get3A_182] : memref<100000xf32, #tpu.memory_space<vmem>>[vector<16xi32>], vector<16xf32>,
        %gather3A_205 = tpu.vector_load_idx %arg5[%get3A_188] : memref<100000xf32, #tpu.memory_space<vmem>>[vector<16xi32>], vector<16xf32>,
        %gather3A_206 = tpu.vector_load_idx %arg5[%get3A_194] : memref<100000xf32, #tpu.memory_space<vmem>>[vector<16xi32>], vector<16xf32>,
        %gather3A_207 = tpu.vector_load_idx %arg5[%get3A_200] : memref<100000xf32, #tpu.memory_space<vmem>>[vector<16xi32>], vector<16xf32>,
        %add3A_208 = arith.constant 0 : i32
        %add3A_209 = arith.addi %mul3A_153, %add3A_208 : i32
        %swap3A = arith.index_cast %add3A_209 : i32 to index
        %swap3A_210 = tpu.vector_load %arg7[%swap3A] {strides = array<i32>} : memref<4096xf32, #tpu.memory_space<vmem>>, vector<16xf32>,
        tpu.vector_store %arg7[%swap3A], %gather3A {strides = array<i32>} : memref<4096xf32, #tpu.memory_space<vmem>>, vector<16xf32>,
        %add3A_211 = arith.constant 16 : i32
        %add3A_212 = arith.addi %mul3A_153, %add3A_211 : i32
        %swap3A_213 = arith.index_cast %add3A_212 : i32 to index
        %swap3A_214 = tpu.vector_load %arg7[%swap3A_213] {strides = array<i32>} : memref<4096xf32, #tpu.memory_space<vmem>>, vector<16xf32>,
        tpu.vector_store %arg7[%swap3A_213], %gather3A_201 {strides = array<i32>} : memref<4096xf32, #tpu.memory_space<vmem>>, vector<16xf32>,
        %add3A_215 = arith.constant 32 : i32
        %add3A_216 = arith.addi %mul3A_153, %add3A_215 : i32
        %swap3A_217 = arith.index_cast %add3A_216 : i32 to index
        %swap3A_218 = tpu.vector_load %arg7[%swap3A_217] {strides = array<i32>} : memref<4096xf32, #tpu.memory_space<vmem>>, vector<16xf32>,
        tpu.vector_store %arg7[%swap3A_217], %gather3A_202 {strides = array<i32>} : memref<4096xf32, #tpu.memory_space<vmem>>, vector<16xf32>,
        %add3A_219 = arith.constant 48 : i32
        %add3A_220 = arith.addi %mul3A_153, %add3A_219 : i32
        %swap3A_221 = arith.index_cast %add3A_220 : i32 to index
        %swap3A_222 = tpu.vector_load %arg7[%swap3A_221] {strides = array<i32>} : memref<4096xf32, #tpu.memory_space<vmem>>, vector<16xf32>,
        tpu.vector_store %arg7[%swap3A_221], %gather3A_203 {strides = array<i32>} : memref<4096xf32, #tpu.memory_space<vmem>>, vector<16xf32>,
        %add3A_223 = arith.constant 64 : i32
        %add3A_224 = arith.addi %mul3A_153, %add3A_223 : i32
        %swap3A_225 = arith.index_cast %add3A_224 : i32 to index
        %swap3A_226 = tpu.vector_load %arg7[%swap3A_225] {strides = array<i32>} : memref<4096xf32, #tpu.memory_space<vmem>>, vector<16xf32>,
        tpu.vector_store %arg7[%swap3A_225], %gather3A_204 {strides = array<i32>} : memref<4096xf32, #tpu.memory_space<vmem>>, vector<16xf32>,
        %add3A_227 = arith.constant 80 : i32
        %add3A_228 = arith.addi %mul3A_153, %add3A_227 : i32
        %swap3A_229 = arith.index_cast %add3A_228 : i32 to index
        %swap3A_230 = tpu.vector_load %arg7[%swap3A_229] {strides = array<i32>} : memref<4096xf32, #tpu.memory_space<vmem>>, vector<16xf32>,
        tpu.vector_store %arg7[%swap3A_229], %gather3A_205 {strides = array<i32>} : memref<4096xf32, #tpu.memory_space<vmem>>, vector<16xf32>,
        %add3A_231 = arith.constant 96 : i32
        %add3A_232 = arith.addi %mul3A_153, %add3A_231 : i32
        %swap3A_233 = arith.index_cast %add3A_232 : i32 to index
        %swap3A_234 = tpu.vector_load %arg7[%swap3A_233] {strides = array<i32>} : memref<4096xf32, #tpu.memory_space<vmem>>, vector<16xf32>,
        tpu.vector_store %arg7[%swap3A_233], %gather3A_206 {strides = array<i32>} : memref<4096xf32, #tpu.memory_space<vmem>>, vector<16xf32>,
        %add3A_235 = arith.constant 112 : i32
        %add3A_236 = arith.addi %mul3A_153, %add3A_235 : i32
        %swap3A_237 = arith.index_cast %add3A_236 : i32 to index
        %swap3A_238 = tpu.vector_load %arg7[%swap3A_237] {strides = array<i32>} : memref<4096xf32, #tpu.memory_space<vmem>>, vector<16xf32>,
        tpu.vector_store %arg7[%swap3A_237], %gather3A_207 {strides = array<i32>} : memref<4096xf32, #tpu.memory_space<vmem>>, vector<16xf32>,
        %scan3A_239 = arith.constant 1 : i32
        %scan3A_240 = arith.addi %scan3A_151, %scan3A_239 : i32
        %mul3A_241 = arith.constant 128 : i32
        %mul3A_242 = arith.muli %scan3A_240, %mul3A_241 : i32
        %add3A_243 = arith.constant 0 : i32
        %add3A_244 = arith.addi %add3A_243, %mul3A_242 : i32
        %add3A_245 = arith.constant 0 : i32
        %add3A_246 = arith.addi %add3A_244, %add3A_245 : i32
        %get3A_247 = arith.index_cast %add3A_246 : i32 to index
        %get3A_248 = tpu.vector_load %arg6[%get3A_247] {strides = array<i32>} : memref<16384xi32, #tpu.memory_space<vmem>>, vector<16xi32>,
        %add3A_249 = arith.constant 0 : i32
        %add3A_250 = arith.addi %add3A_249, %mul3A_242 : i32
        %add3A_251 = arith.constant 16 : i32
        %add3A_252 = arith.addi %add3A_250, %add3A_251 : i32
        %get3A_253 = arith.index_cast %add3A_252 : i32 to index
        %get3A_254 = tpu.vector_load %arg6[%get3A_253] {strides = array<i32>} : memref<16384xi32, #tpu.memory_space<vmem>>, vector<16xi32>,
        %add3A_255 = arith.constant 0 : i32
        %add3A_256 = arith.addi %add3A_255, %mul3A_242 : i32
        %add3A_257 = arith.constant 32 : i32
        %add3A_258 = arith.addi %add3A_256, %add3A_257 : i32
        %get3A_259 = arith.index_cast %add3A_258 : i32 to index
        %get3A_260 = tpu.vector_load %arg6[%get3A_259] {strides = array<i32>} : memref<16384xi32, #tpu.memory_space<vmem>>, vector<16xi32>,
        %add3A_261 = arith.constant 0 : i32
        %add3A_262 = arith.addi %add3A_261, %mul3A_242 : i32
        %add3A_263 = arith.constant 48 : i32
        %add3A_264 = arith.addi %add3A_262, %add3A_263 : i32
        %get3A_265 = arith.index_cast %add3A_264 : i32 to index
        %get3A_266 = tpu.vector_load %arg6[%get3A_265] {strides = array<i32>} : memref<16384xi32, #tpu.memory_space<vmem>>, vector<16xi32>,
        %add3A_267 = arith.constant 0 : i32
        %add3A_268 = arith.addi %add3A_267, %mul3A_242 : i32
        %add3A_269 = arith.constant 64 : i32
        %add3A_270 = arith.addi %add3A_268, %add3A_269 : i32
        %get3A_271 = arith.index_cast %add3A_270 : i32 to index
        %get3A_272 = tpu.vector_load %arg6[%get3A_271] {strides = array<i32>} : memref<16384xi32, #tpu.memory_space<vmem>>, vector<16xi32>,
        %add3A_273 = arith.constant 0 : i32
        %add3A_274 = arith.addi %add3A_273, %mul3A_242 : i32
        %add3A_275 = arith.constant 80 : i32
        %add3A_276 = arith.addi %add3A_274, %add3A_275 : i32
        %get3A_277 = arith.index_cast %add3A_276 : i32 to index
        %get3A_278 = tpu.vector_load %arg6[%get3A_277] {strides = array<i32>} : memref<16384xi32, #tpu.memory_space<vmem>>, vector<16xi32>,
        %add3A_279 = arith.constant 0 : i32
        %add3A_280 = arith.addi %add3A_279, %mul3A_242 : i32
        %add3A_281 = arith.constant 96 : i32
        %add3A_282 = arith.addi %add3A_280, %add3A_281 : i32
        %get3A_283 = arith.index_cast %add3A_282 : i32 to index
        %get3A_284 = tpu.vector_load %arg6[%get3A_283] {strides = array<i32>} : memref<16384xi32, #tpu.memory_space<vmem>>, vector<16xi32>,
        %add3A_285 = arith.constant 0 : i32
        %add3A_286 = arith.addi %add3A_285, %mul3A_242 : i32
        %add3A_287 = arith.constant 112 : i32
        %add3A_288 = arith.addi %add3A_286, %add3A_287 : i32
        %get3A_289 = arith.index_cast %add3A_288 : i32 to index
        %get3A_290 = tpu.vector_load %arg6[%get3A_289] {strides = array<i32>} : memref<16384xi32, #tpu.memory_space<vmem>>, vector<16xi32>,
        %gather3A_291 = tpu.vector_load_idx %arg5[%get3A_248] : memref<100000xf32, #tpu.memory_space<vmem>>[vector<16xi32>], vector<16xf32>,
        %gather3A_292 = tpu.vector_load_idx %arg5[%get3A_254] : memref<100000xf32, #tpu.memory_space<vmem>>[vector<16xi32>], vector<16xf32>,
        %gather3A_293 = tpu.vector_load_idx %arg5[%get3A_260] : memref<100000xf32, #tpu.memory_space<vmem>>[vector<16xi32>], vector<16xf32>,
        %gather3A_294 = tpu.vector_load_idx %arg5[%get3A_266] : memref<100000xf32, #tpu.memory_space<vmem>>[vector<16xi32>], vector<16xf32>,
        %gather3A_295 = tpu.vector_load_idx %arg5[%get3A_272] : memref<100000xf32, #tpu.memory_space<vmem>>[vector<16xi32>], vector<16xf32>,
        %gather3A_296 = tpu.vector_load_idx %arg5[%get3A_278] : memref<100000xf32, #tpu.memory_space<vmem>>[vector<16xi32>], vector<16xf32>,
        %gather3A_297 = tpu.vector_load_idx %arg5[%get3A_284] : memref<100000xf32, #tpu.memory_space<vmem>>[vector<16xi32>], vector<16xf32>,
        %gather3A_298 = tpu.vector_load_idx %arg5[%get3A_290] : memref<100000xf32, #tpu.memory_space<vmem>>[vector<16xi32>], vector<16xf32>,
        %add3A_299 = arith.constant 0 : i32
        %add3A_300 = arith.addi %mul3A_242, %add3A_299 : i32
        %swap3A_301 = arith.index_cast %add3A_300 : i32 to index
        %swap3A_302 = tpu.vector_load %arg7[%swap3A_301] {strides = array<i32>} : memref<4096xf32, #tpu.memory_space<vmem>>, vector<16xf32>,
        tpu.vector_store %arg7[%swap3A_301], %gather3A_291 {strides = array<i32>} : memref<4096xf32, #tpu.memory_space<vmem>>, vector<16xf32>,
        %add3A_303 = arith.constant 16 : i32
        %add3A_304 = arith.addi %mul3A_242, %add3A_303 : i32
        %swap3A_305 = arith.index_cast %add3A_304 : i32 to index
        %swap3A_306 = tpu.vector_load %arg7[%swap3A_305] {strides = array<i32>} : memref<4096xf32, #tpu.memory_space<vmem>>, vector<16xf32>,
        tpu.vector_store %arg7[%swap3A_305], %gather3A_292 {strides = array<i32>} : memref<4096xf32, #tpu.memory_space<vmem>>, vector<16xf32>,
        %add3A_307 = arith.constant 32 : i32
        %add3A_308 = arith.addi %mul3A_242, %add3A_307 : i32
        %swap3A_309 = arith.index_cast %add3A_308 : i32 to index
        %swap3A_310 = tpu.vector_load %arg7[%swap3A_309] {strides = array<i32>} : memref<4096xf32, #tpu.memory_space<vmem>>, vector<16xf32>,
        tpu.vector_store %arg7[%swap3A_309], %gather3A_293 {strides = array<i32>} : memref<4096xf32, #tpu.memory_space<vmem>>, vector<16xf32>,
        %add3A_311 = arith.constant 48 : i32
        %add3A_312 = arith.addi %mul3A_242, %add3A_311 : i32
        %swap3A_313 = arith.index_cast %add3A_312 : i32 to index
        %swap3A_314 = tpu.vector_load %arg7[%swap3A_313] {strides = array<i32>} : memref<4096xf32, #tpu.memory_space<vmem>>, vector<16xf32>,
        tpu.vector_store %arg7[%swap3A_313], %gather3A_294 {strides = array<i32>} : memref<4096xf32, #tpu.memory_space<vmem>>, vector<16xf32>,
        %add3A_315 = arith.constant 64 : i32
        %add3A_316 = arith.addi %mul3A_242, %add3A_315 : i32
        %swap3A_317 = arith.index_cast %add3A_316 : i32 to index
        %swap3A_318 = tpu.vector_load %arg7[%swap3A_317] {strides = array<i32>} : memref<4096xf32, #tpu.memory_space<vmem>>, vector<16xf32>,
        tpu.vector_store %arg7[%swap3A_317], %gather3A_295 {strides = array<i32>} : memref<4096xf32, #tpu.memory_space<vmem>>, vector<16xf32>,
        %add3A_319 = arith.constant 80 : i32
        %add3A_320 = arith.addi %mul3A_242, %add3A_319 : i32
        %swap3A_321 = arith.index_cast %add3A_320 : i32 to index
        %swap3A_322 = tpu.vector_load %arg7[%swap3A_321] {strides = array<i32>} : memref<4096xf32, #tpu.memory_space<vmem>>, vector<16xf32>,
        tpu.vector_store %arg7[%swap3A_321], %gather3A_296 {strides = array<i32>} : memref<4096xf32, #tpu.memory_space<vmem>>, vector<16xf32>,
        %add3A_323 = arith.constant 96 : i32
        %add3A_324 = arith.addi %mul3A_242, %add3A_323 : i32
        %swap3A_325 = arith.index_cast %add3A_324 : i32 to index
        %swap3A_326 = tpu.vector_load %arg7[%swap3A_325] {strides = array<i32>} : memref<4096xf32, #tpu.memory_space<vmem>>, vector<16xf32>,
        tpu.vector_store %arg7[%swap3A_325], %gather3A_297 {strides = array<i32>} : memref<4096xf32, #tpu.memory_space<vmem>>, vector<16xf32>,
        %add3A_327 = arith.constant 112 : i32
        %add3A_328 = arith.addi %mul3A_242, %add3A_327 : i32
        %swap3A_329 = arith.index_cast %add3A_328 : i32 to index
        %swap3A_330 = tpu.vector_load %arg7[%swap3A_329] {strides = array<i32>} : memref<4096xf32, #tpu.memory_space<vmem>>, vector<16xf32>,
        tpu.vector_store %arg7[%swap3A_329], %gather3A_298 {strides = array<i32>} : memref<4096xf32, #tpu.memory_space<vmem>>, vector<16xf32>,
      }
      %scan3A_81 = arith.constant 32 : i32
      %dma_start3A_82 = arith.constant 0 : i32
      %dma_start3A_83 = tpu.memref_slice %arg4[%add3A_24, %dma_start3A_82] : memref<832x16384xf32, #tpu.memory_space<hbm>> -> memref<1x4096xf32, #tpu.memory_space<hbm>>
      %dma_start3A_84 = tpu.memref_squeeze %dma_start3A_83 : memref<1x4096xf32, #tpu.memory_space<hbm>> -> memref<4096xf32, #tpu.memory_space<hbm>>
      %dma_start3A_85 = arith.constant 0 : i32
      %dma_start3A_86 = tpu.memref_slice %arg4[%add3A_24, %dma_start3A_85] : memref<832x16384xf32, #tpu.memory_space<hbm>> -> memref<1x4096xf32, #tpu.memory_space<hbm>>
      %dma_start3A_87 = tpu.memref_squeeze %dma_start3A_86 : memref<1x4096xf32, #tpu.memory_space<hbm>> -> memref<4096xf32, #tpu.memory_space<hbm>>
      tpu.enqueue_dma source(%arg7 : memref<4096xf32, #tpu.memory_space<vmem>>) target(%dma_start3A_87 : memref<4096xf32, #tpu.memory_space<hbm>>) target_semaphore(%arg10 : memref<!tpu.dma_semaphore, #tpu.memory_space<semaphore_mem>>)
      %mul3A_88 = arith.constant 4 : i32
      %mul3A_89 = arith.muli %scan3A_20, %mul3A_88 : i32
      %add3A_90 = arith.constant 1 : i32
      %add3A_91 = arith.addi %mul3A_89, %add3A_90 : i32
      %ge3A_92 = arith.constant 2 : i32
      %ge3A_93 = arith.cmpi sge, %add3A_91, %ge3A_92 : i32
      %convert_element_type3A_94 = arith.extui %ge3A_93 : i1 to i32
      %cond3A_95 = arith.constant 0 : i32
      %cond3A_96 = arith.cmpi ne, %convert_element_type3A_94, %cond3A_95 : i32
      scf.if %cond3A_96 {
        %dma_wait3A_151 = arith.constant 0 : i32
        %dma_wait3A_152 = tpu.memref_slice %arg4[%add3A_24, %dma_wait3A_151] : memref<832x16384xf32, #tpu.memory_space<hbm>> -> memref<1x4096xf32, #tpu.memory_space<hbm>>
        %dma_wait3A_153 = tpu.memref_squeeze %dma_wait3A_152 : memref<1x4096xf32, #tpu.memory_space<hbm>> -> memref<4096xf32, #tpu.memory_space<hbm>>
        %dma_wait3A_154 = arith.constant 0 : i32
        %dma_wait3A_155 = tpu.memref_slice %arg4[%add3A_24, %dma_wait3A_154] : memref<832x16384xf32, #tpu.memory_space<hbm>> -> memref<1x4096xf32, #tpu.memory_space<hbm>>
        %dma_wait3A_156 = tpu.memref_squeeze %dma_wait3A_155 : memref<1x4096xf32, #tpu.memory_space<hbm>> -> memref<4096xf32, #tpu.memory_space<hbm>>
        tpu.wait_dma2 semaphore(%arg11 : memref<!tpu.dma_semaphore, #tpu.memory_space<semaphore_mem>>) src(%arg8 : memref<4096xf32, #tpu.memory_space<vmem>>) dst(%dma_wait3A_156 : memref<4096xf32, #tpu.memory_space<hbm>>)
      } else {
      }
      %scan3A_97 = arith.constant 0 : i32
      %scan3A_98 = arith.constant 0 : i32
      %scan3A_99 = arith.constant 32 : i32
      %scan3A_100 = arith.addi %scan3A_98, %scan3A_99 : i32
      %scan3A_101 = arith.constant 2 : i32
      scf.for %scan3A_151 = %scan3A_98 to %scan3A_100 step %scan3A_101  : i32 {
        %mul3A_152 = arith.constant 128 : i32
        %mul3A_153 = arith.muli %scan3A_151, %mul3A_152 : i32
        %add3A_154 = arith.constant 4096 : i32
        %add3A_155 = arith.addi %add3A_154, %mul3A_153 : i32
        %add3A_156 = arith.constant 0 : i32
        %add3A_157 = arith.addi %add3A_155, %add3A_156 : i32
        %get3A = arith.index_cast %add3A_157 : i32 to index
        %get3A_158 = tpu.vector_load %arg6[%get3A] {strides = array<i32>} : memref<16384xi32, #tpu.memory_space<vmem>>, vector<16xi32>,
        %add3A_159 = arith.constant 4096 : i32
        %add3A_160 = arith.addi %add3A_159, %mul3A_153 : i32
        %add3A_161 = arith.constant 16 : i32
        %add3A_162 = arith.addi %add3A_160, %add3A_161 : i32
        %get3A_163 = arith.index_cast %add3A_162 : i32 to index
        %get3A_164 = tpu.vector_load %arg6[%get3A_163] {strides = array<i32>} : memref<16384xi32, #tpu.memory_space<vmem>>, vector<16xi32>,
        %add3A_165 = arith.constant 4096 : i32
        %add3A_166 = arith.addi %add3A_165, %mul3A_153 : i32
        %add3A_167 = arith.constant 32 : i32
        %add3A_168 = arith.addi %add3A_166, %add3A_167 : i32
        %get3A_169 = arith.index_cast %add3A_168 : i32 to index
        %get3A_170 = tpu.vector_load %arg6[%get3A_169] {strides = array<i32>} : memref<16384xi32, #tpu.memory_space<vmem>>, vector<16xi32>,
        %add3A_171 = arith.constant 4096 : i32
        %add3A_172 = arith.addi %add3A_171, %mul3A_153 : i32
        %add3A_173 = arith.constant 48 : i32
        %add3A_174 = arith.addi %add3A_172, %add3A_173 : i32
        %get3A_175 = arith.index_cast %add3A_174 : i32 to index
        %get3A_176 = tpu.vector_load %arg6[%get3A_175] {strides = array<i32>} : memref<16384xi32, #tpu.memory_space<vmem>>, vector<16xi32>,
        %add3A_177 = arith.constant 4096 : i32
        %add3A_178 = arith.addi %add3A_177, %mul3A_153 : i32
        %add3A_179 = arith.constant 64 : i32
        %add3A_180 = arith.addi %add3A_178, %add3A_179 : i32
        %get3A_181 = arith.index_cast %add3A_180 : i32 to index
        %get3A_182 = tpu.vector_load %arg6[%get3A_181] {strides = array<i32>} : memref<16384xi32, #tpu.memory_space<vmem>>, vector<16xi32>,
        %add3A_183 = arith.constant 4096 : i32
        %add3A_184 = arith.addi %add3A_183, %mul3A_153 : i32
        %add3A_185 = arith.constant 80 : i32
        %add3A_186 = arith.addi %add3A_184, %add3A_185 : i32
        %get3A_187 = arith.index_cast %add3A_186 : i32 to index
        %get3A_188 = tpu.vector_load %arg6[%get3A_187] {strides = array<i32>} : memref<16384xi32, #tpu.memory_space<vmem>>, vector<16xi32>,
        %add3A_189 = arith.constant 4096 : i32
        %add3A_190 = arith.addi %add3A_189, %mul3A_153 : i32
        %add3A_191 = arith.constant 96 : i32
        %add3A_192 = arith.addi %add3A_190, %add3A_191 : i32
        %get3A_193 = arith.index_cast %add3A_192 : i32 to index
        %get3A_194 = tpu.vector_load %arg6[%get3A_193] {strides = array<i32>} : memref<16384xi32, #tpu.memory_space<vmem>>, vector<16xi32>,
        %add3A_195 = arith.constant 4096 : i32
        %add3A_196 = arith.addi %add3A_195, %mul3A_153 : i32
        %add3A_197 = arith.constant 112 : i32
        %add3A_198 = arith.addi %add3A_196, %add3A_197 : i32
        %get3A_199 = arith.index_cast %add3A_198 : i32 to index
        %get3A_200 = tpu.vector_load %arg6[%get3A_199] {strides = array<i32>} : memref<16384xi32, #tpu.memory_space<vmem>>, vector<16xi32>,
        %gather3A = tpu.vector_load_idx %arg5[%get3A_158] : memref<100000xf32, #tpu.memory_space<vmem>>[vector<16xi32>], vector<16xf32>,
        %gather3A_201 = tpu.vector_load_idx %arg5[%get3A_164] : memref<100000xf32, #tpu.memory_space<vmem>>[vector<16xi32>], vector<16xf32>,
        %gather3A_202 = tpu.vector_load_idx %arg5[%get3A_170] : memref<100000xf32, #tpu.memory_space<vmem>>[vector<16xi32>], vector<16xf32>,
        %gather3A_203 = tpu.vector_load_idx %arg5[%get3A_176] : memref<100000xf32, #tpu.memory_space<vmem>>[vector<16xi32>], vector<16xf32>,
        %gather3A_204 = tpu.vector_load_idx %arg5[%get3A_182] : memref<100000xf32, #tpu.memory_space<vmem>>[vector<16xi32>], vector<16xf32>,
        %gather3A_205 = tpu.vector_load_idx %arg5[%get3A_188] : memref<100000xf32, #tpu.memory_space<vmem>>[vector<16xi32>], vector<16xf32>,
        %gather3A_206 = tpu.vector_load_idx %arg5[%get3A_194] : memref<100000xf32, #tpu.memory_space<vmem>>[vector<16xi32>], vector<16xf32>,
        %gather3A_207 = tpu.vector_load_idx %arg5[%get3A_200] : memref<100000xf32, #tpu.memory_space<vmem>>[vector<16xi32>], vector<16xf32>,
        %add3A_208 = arith.constant 0 : i32
        %add3A_209 = arith.addi %mul3A_153, %add3A_208 : i32
        %swap3A = arith.index_cast %add3A_209 : i32 to index
        %swap3A_210 = tpu.vector_load %arg8[%swap3A] {strides = array<i32>} : memref<4096xf32, #tpu.memory_space<vmem>>, vector<16xf32>,
        tpu.vector_store %arg8[%swap3A], %gather3A {strides = array<i32>} : memref<4096xf32, #tpu.memory_space<vmem>>, vector<16xf32>,
        %add3A_211 = arith.constant 16 : i32
        %add3A_212 = arith.addi %mul3A_153, %add3A_211 : i32
        %swap3A_213 = arith.index_cast %add3A_212 : i32 to index
        %swap3A_214 = tpu.vector_load %arg8[%swap3A_213] {strides = array<i32>} : memref<4096xf32, #tpu.memory_space<vmem>>, vector<16xf32>,
        tpu.vector_store %arg8[%swap3A_213], %gather3A_201 {strides = array<i32>} : memref<4096xf32, #tpu.memory_space<vmem>>, vector<16xf32>,
        %add3A_215 = arith.constant 32 : i32
        %add3A_216 = arith.addi %mul3A_153, %add3A_215 : i32
        %swap3A_217 = arith.index_cast %add3A_216 : i32 to index
        %swap3A_218 = tpu.vector_load %arg8[%swap3A_217] {strides = array<i32>} : memref<4096xf32, #tpu.memory_space<vmem>>, vector<16xf32>,
        tpu.vector_store %arg8[%swap3A_217], %gather3A_202 {strides = array<i32>} : memref<4096xf32, #tpu.memory_space<vmem>>, vector<16xf32>,
        %add3A_219 = arith.constant 48 : i32
        %add3A_220 = arith.addi %mul3A_153, %add3A_219 : i32
        %swap3A_221 = arith.index_cast %add3A_220 : i32 to index
        %swap3A_222 = tpu.vector_load %arg8[%swap3A_221] {strides = array<i32>} : memref<4096xf32, #tpu.memory_space<vmem>>, vector<16xf32>,
        tpu.vector_store %arg8[%swap3A_221], %gather3A_203 {strides = array<i32>} : memref<4096xf32, #tpu.memory_space<vmem>>, vector<16xf32>,
        %add3A_223 = arith.constant 64 : i32
        %add3A_224 = arith.addi %mul3A_153, %add3A_223 : i32
        %swap3A_225 = arith.index_cast %add3A_224 : i32 to index
        %swap3A_226 = tpu.vector_load %arg8[%swap3A_225] {strides = array<i32>} : memref<4096xf32, #tpu.memory_space<vmem>>, vector<16xf32>,
        tpu.vector_store %arg8[%swap3A_225], %gather3A_204 {strides = array<i32>} : memref<4096xf32, #tpu.memory_space<vmem>>, vector<16xf32>,
        %add3A_227 = arith.constant 80 : i32
        %add3A_228 = arith.addi %mul3A_153, %add3A_227 : i32
        %swap3A_229 = arith.index_cast %add3A_228 : i32 to index
        %swap3A_230 = tpu.vector_load %arg8[%swap3A_229] {strides = array<i32>} : memref<4096xf32, #tpu.memory_space<vmem>>, vector<16xf32>,
        tpu.vector_store %arg8[%swap3A_229], %gather3A_205 {strides = array<i32>} : memref<4096xf32, #tpu.memory_space<vmem>>, vector<16xf32>,
        %add3A_231 = arith.constant 96 : i32
        %add3A_232 = arith.addi %mul3A_153, %add3A_231 : i32
        %swap3A_233 = arith.index_cast %add3A_232 : i32 to index
        %swap3A_234 = tpu.vector_load %arg8[%swap3A_233] {strides = array<i32>} : memref<4096xf32, #tpu.memory_space<vmem>>, vector<16xf32>,
        tpu.vector_store %arg8[%swap3A_233], %gather3A_206 {strides = array<i32>} : memref<4096xf32, #tpu.memory_space<vmem>>, vector<16xf32>,
        %add3A_235 = arith.constant 112 : i32
        %add3A_236 = arith.addi %mul3A_153, %add3A_235 : i32
        %swap3A_237 = arith.index_cast %add3A_236 : i32 to index
        %swap3A_238 = tpu.vector_load %arg8[%swap3A_237] {strides = array<i32>} : memref<4096xf32, #tpu.memory_space<vmem>>, vector<16xf32>,
        tpu.vector_store %arg8[%swap3A_237], %gather3A_207 {strides = array<i32>} : memref<4096xf32, #tpu.memory_space<vmem>>, vector<16xf32>,
        %scan3A_239 = arith.constant 1 : i32
        %scan3A_240 = arith.addi %scan3A_151, %scan3A_239 : i32
        %mul3A_241 = arith.constant 128 : i32
        %mul3A_242 = arith.muli %scan3A_240, %mul3A_241 : i32
        %add3A_243 = arith.constant 4096 : i32
        %add3A_244 = arith.addi %add3A_243, %mul3A_242 : i32
        %add3A_245 = arith.constant 0 : i32
        %add3A_246 = arith.addi %add3A_244, %add3A_245 : i32
        %get3A_247 = arith.index_cast %add3A_246 : i32 to index
        %get3A_248 = tpu.vector_load %arg6[%get3A_247] {strides = array<i32>} : memref<16384xi32, #tpu.memory_space<vmem>>, vector<16xi32>,
        %add3A_249 = arith.constant 4096 : i32
        %add3A_250 = arith.addi %add3A_249, %mul3A_242 : i32
        %add3A_251 = arith.constant 16 : i32
        %add3A_252 = arith.addi %add3A_250, %add3A_251 : i32
        %get3A_253 = arith.index_cast %add3A_252 : i32 to index
        %get3A_254 = tpu.vector_load %arg6[%get3A_253] {strides = array<i32>} : memref<16384xi32, #tpu.memory_space<vmem>>, vector<16xi32>,
        %add3A_255 = arith.constant 4096 : i32
        %add3A_256 = arith.addi %add3A_255, %mul3A_242 : i32
        %add3A_257 = arith.constant 32 : i32
        %add3A_258 = arith.addi %add3A_256, %add3A_257 : i32
        %get3A_259 = arith.index_cast %add3A_258 : i32 to index
        %get3A_260 = tpu.vector_load %arg6[%get3A_259] {strides = array<i32>} : memref<16384xi32, #tpu.memory_space<vmem>>, vector<16xi32>,
        %add3A_261 = arith.constant 4096 : i32
        %add3A_262 = arith.addi %add3A_261, %mul3A_242 : i32
        %add3A_263 = arith.constant 48 : i32
        %add3A_264 = arith.addi %add3A_262, %add3A_263 : i32
        %get3A_265 = arith.index_cast %add3A_264 : i32 to index
        %get3A_266 = tpu.vector_load %arg6[%get3A_265] {strides = array<i32>} : memref<16384xi32, #tpu.memory_space<vmem>>, vector<16xi32>,
        %add3A_267 = arith.constant 4096 : i32
        %add3A_268 = arith.addi %add3A_267, %mul3A_242 : i32
        %add3A_269 = arith.constant 64 : i32
        %add3A_270 = arith.addi %add3A_268, %add3A_269 : i32
        %get3A_271 = arith.index_cast %add3A_270 : i32 to index
        %get3A_272 = tpu.vector_load %arg6[%get3A_271] {strides = array<i32>} : memref<16384xi32, #tpu.memory_space<vmem>>, vector<16xi32>,
        %add3A_273 = arith.constant 4096 : i32
        %add3A_274 = arith.addi %add3A_273, %mul3A_242 : i32
        %add3A_275 = arith.constant 80 : i32
        %add3A_276 = arith.addi %add3A_274, %add3A_275 : i32
        %get3A_277 = arith.index_cast %add3A_276 : i32 to index
        %get3A_278 = tpu.vector_load %arg6[%get3A_277] {strides = array<i32>} : memref<16384xi32, #tpu.memory_space<vmem>>, vector<16xi32>,
        %add3A_279 = arith.constant 4096 : i32
        %add3A_280 = arith.addi %add3A_279, %mul3A_242 : i32
        %add3A_281 = arith.constant 96 : i32
        %add3A_282 = arith.addi %add3A_280, %add3A_281 : i32
        %get3A_283 = arith.index_cast %add3A_282 : i32 to index
        %get3A_284 = tpu.vector_load %arg6[%get3A_283] {strides = array<i32>} : memref<16384xi32, #tpu.memory_space<vmem>>, vector<16xi32>,
        %add3A_285 = arith.constant 4096 : i32
        %add3A_286 = arith.addi %add3A_285, %mul3A_242 : i32
        %add3A_287 = arith.constant 112 : i32
        %add3A_288 = arith.addi %add3A_286, %add3A_287 : i32
        %get3A_289 = arith.index_cast %add3A_288 : i32 to index
        %get3A_290 = tpu.vector_load %arg6[%get3A_289] {strides = array<i32>} : memref<16384xi32, #tpu.memory_space<vmem>>, vector<16xi32>,
        %gather3A_291 = tpu.vector_load_idx %arg5[%get3A_248] : memref<100000xf32, #tpu.memory_space<vmem>>[vector<16xi32>], vector<16xf32>,
        %gather3A_292 = tpu.vector_load_idx %arg5[%get3A_254] : memref<100000xf32, #tpu.memory_space<vmem>>[vector<16xi32>], vector<16xf32>,
        %gather3A_293 = tpu.vector_load_idx %arg5[%get3A_260] : memref<100000xf32, #tpu.memory_space<vmem>>[vector<16xi32>], vector<16xf32>,
        %gather3A_294 = tpu.vector_load_idx %arg5[%get3A_266] : memref<100000xf32, #tpu.memory_space<vmem>>[vector<16xi32>], vector<16xf32>,
        %gather3A_295 = tpu.vector_load_idx %arg5[%get3A_272] : memref<100000xf32, #tpu.memory_space<vmem>>[vector<16xi32>], vector<16xf32>,
        %gather3A_296 = tpu.vector_load_idx %arg5[%get3A_278] : memref<100000xf32, #tpu.memory_space<vmem>>[vector<16xi32>], vector<16xf32>,
        %gather3A_297 = tpu.vector_load_idx %arg5[%get3A_284] : memref<100000xf32, #tpu.memory_space<vmem>>[vector<16xi32>], vector<16xf32>,
        %gather3A_298 = tpu.vector_load_idx %arg5[%get3A_290] : memref<100000xf32, #tpu.memory_space<vmem>>[vector<16xi32>], vector<16xf32>,
        %add3A_299 = arith.constant 0 : i32
        %add3A_300 = arith.addi %mul3A_242, %add3A_299 : i32
        %swap3A_301 = arith.index_cast %add3A_300 : i32 to index
        %swap3A_302 = tpu.vector_load %arg8[%swap3A_301] {strides = array<i32>} : memref<4096xf32, #tpu.memory_space<vmem>>, vector<16xf32>,
        tpu.vector_store %arg8[%swap3A_301], %gather3A_291 {strides = array<i32>} : memref<4096xf32, #tpu.memory_space<vmem>>, vector<16xf32>,
        %add3A_303 = arith.constant 16 : i32
        %add3A_304 = arith.addi %mul3A_242, %add3A_303 : i32
        %swap3A_305 = arith.index_cast %add3A_304 : i32 to index
        %swap3A_306 = tpu.vector_load %arg8[%swap3A_305] {strides = array<i32>} : memref<4096xf32, #tpu.memory_space<vmem>>, vector<16xf32>,
        tpu.vector_store %arg8[%swap3A_305], %gather3A_292 {strides = array<i32>} : memref<4096xf32, #tpu.memory_space<vmem>>, vector<16xf32>,
        %add3A_307 = arith.constant 32 : i32
        %add3A_308 = arith.addi %mul3A_242, %add3A_307 : i32
        %swap3A_309 = arith.index_cast %add3A_308 : i32 to index
        %swap3A_310 = tpu.vector_load %arg8[%swap3A_309] {strides = array<i32>} : memref<4096xf32, #tpu.memory_space<vmem>>, vector<16xf32>,
        tpu.vector_store %arg8[%swap3A_309], %gather3A_293 {strides = array<i32>} : memref<4096xf32, #tpu.memory_space<vmem>>, vector<16xf32>,
        %add3A_311 = arith.constant 48 : i32
        %add3A_312 = arith.addi %mul3A_242, %add3A_311 : i32
        %swap3A_313 = arith.index_cast %add3A_312 : i32 to index
        %swap3A_314 = tpu.vector_load %arg8[%swap3A_313] {strides = array<i32>} : memref<4096xf32, #tpu.memory_space<vmem>>, vector<16xf32>,
        tpu.vector_store %arg8[%swap3A_313], %gather3A_294 {strides = array<i32>} : memref<4096xf32, #tpu.memory_space<vmem>>, vector<16xf32>,
        %add3A_315 = arith.constant 64 : i32
        %add3A_316 = arith.addi %mul3A_242, %add3A_315 : i32
        %swap3A_317 = arith.index_cast %add3A_316 : i32 to index
        %swap3A_318 = tpu.vector_load %arg8[%swap3A_317] {strides = array<i32>} : memref<4096xf32, #tpu.memory_space<vmem>>, vector<16xf32>,
        tpu.vector_store %arg8[%swap3A_317], %gather3A_295 {strides = array<i32>} : memref<4096xf32, #tpu.memory_space<vmem>>, vector<16xf32>,
        %add3A_319 = arith.constant 80 : i32
        %add3A_320 = arith.addi %mul3A_242, %add3A_319 : i32
        %swap3A_321 = arith.index_cast %add3A_320 : i32 to index
        %swap3A_322 = tpu.vector_load %arg8[%swap3A_321] {strides = array<i32>} : memref<4096xf32, #tpu.memory_space<vmem>>, vector<16xf32>,
        tpu.vector_store %arg8[%swap3A_321], %gather3A_296 {strides = array<i32>} : memref<4096xf32, #tpu.memory_space<vmem>>, vector<16xf32>,
        %add3A_323 = arith.constant 96 : i32
        %add3A_324 = arith.addi %mul3A_242, %add3A_323 : i32
        %swap3A_325 = arith.index_cast %add3A_324 : i32 to index
        %swap3A_326 = tpu.vector_load %arg8[%swap3A_325] {strides = array<i32>} : memref<4096xf32, #tpu.memory_space<vmem>>, vector<16xf32>,
        tpu.vector_store %arg8[%swap3A_325], %gather3A_297 {strides = array<i32>} : memref<4096xf32, #tpu.memory_space<vmem>>, vector<16xf32>,
        %add3A_327 = arith.constant 112 : i32
        %add3A_328 = arith.addi %mul3A_242, %add3A_327 : i32
        %swap3A_329 = arith.index_cast %add3A_328 : i32 to index
        %swap3A_330 = tpu.vector_load %arg8[%swap3A_329] {strides = array<i32>} : memref<4096xf32, #tpu.memory_space<vmem>>, vector<16xf32>,
        tpu.vector_store %arg8[%swap3A_329], %gather3A_298 {strides = array<i32>} : memref<4096xf32, #tpu.memory_space<vmem>>, vector<16xf32>,
      }
      %scan3A_102 = arith.constant 32 : i32
      %dma_start3A_103 = arith.constant 4096 : i32
      %dma_start3A_104 = tpu.memref_slice %arg4[%add3A_24, %dma_start3A_103] : memref<832x16384xf32, #tpu.memory_space<hbm>> -> memref<1x4096xf32, #tpu.memory_space<hbm>>
      %dma_start3A_105 = tpu.memref_squeeze %dma_start3A_104 : memref<1x4096xf32, #tpu.memory_space<hbm>> -> memref<4096xf32, #tpu.memory_space<hbm>>
      %dma_start3A_106 = arith.constant 4096 : i32
      %dma_start3A_107 = tpu.memref_slice %arg4[%add3A_24, %dma_start3A_106] : memref<832x16384xf32, #tpu.memory_space<hbm>> -> memref<1x4096xf32, #tpu.memory_space<hbm>>
      %dma_start3A_108 = tpu.memref_squeeze %dma_start3A_107 : memref<1x4096xf32, #tpu.memory_space<hbm>> -> memref<4096xf32, #tpu.memory_space<hbm>>
      tpu.enqueue_dma source(%arg8 : memref<4096xf32, #tpu.memory_space<vmem>>) target(%dma_start3A_108 : memref<4096xf32, #tpu.memory_space<hbm>>) target_semaphore(%arg11 : memref<!tpu.dma_semaphore, #tpu.memory_space<semaphore_mem>>)
      %mul3A_109 = arith.constant 4 : i32
      %mul3A_110 = arith.muli %scan3A_20, %mul3A_109 : i32
      %add3A_111 = arith.constant 2 : i32
      %add3A_112 = arith.addi %mul3A_110, %add3A_111 : i32
      %ge3A_113 = arith.constant 2 : i32
      %ge3A_114 = arith.cmpi sge, %add3A_112, %ge3A_113 : i32
      %convert_element_type3A_115 = arith.extui %ge3A_114 : i1 to i32
      %cond3A_116 = arith.constant 0 : i32
      %cond3A_117 = arith.cmpi ne, %convert_element_type3A_115, %cond3A_116 : i32
      scf.if %cond3A_117 {
        %dma_wait3A_151 = arith.constant 0 : i32
        %dma_wait3A_152 = tpu.memref_slice %arg4[%add3A_24, %dma_wait3A_151] : memref<832x16384xf32, #tpu.memory_space<hbm>> -> memref<1x4096xf32, #tpu.memory_space<hbm>>
        %dma_wait3A_153 = tpu.memref_squeeze %dma_wait3A_152 : memref<1x4096xf32, #tpu.memory_space<hbm>> -> memref<4096xf32, #tpu.memory_space<hbm>>
        %dma_wait3A_154 = arith.constant 0 : i32
        %dma_wait3A_155 = tpu.memref_slice %arg4[%add3A_24, %dma_wait3A_154] : memref<832x16384xf32, #tpu.memory_space<hbm>> -> memref<1x4096xf32, #tpu.memory_space<hbm>>
        %dma_wait3A_156 = tpu.memref_squeeze %dma_wait3A_155 : memref<1x4096xf32, #tpu.memory_space<hbm>> -> memref<4096xf32, #tpu.memory_space<hbm>>
        tpu.wait_dma2 semaphore(%arg10 : memref<!tpu.dma_semaphore, #tpu.memory_space<semaphore_mem>>) src(%arg7 : memref<4096xf32, #tpu.memory_space<vmem>>) dst(%dma_wait3A_156 : memref<4096xf32, #tpu.memory_space<hbm>>)
      } else {
      }
      %scan3A_118 = arith.constant 0 : i32
      %scan3A_119 = arith.constant 0 : i32
      %scan3A_120 = arith.constant 32 : i32
      %scan3A_121 = arith.addi %scan3A_119, %scan3A_120 : i32
      %scan3A_122 = arith.constant 2 : i32
      scf.for %scan3A_151 = %scan3A_119 to %scan3A_121 step %scan3A_122  : i32 {
        %mul3A_152 = arith.constant 128 : i32
        %mul3A_153 = arith.muli %scan3A_151, %mul3A_152 : i32
        %add3A_154 = arith.constant 8192 : i32
        %add3A_155 = arith.addi %add3A_154, %mul3A_153 : i32
        %add3A_156 = arith.constant 0 : i32
        %add3A_157 = arith.addi %add3A_155, %add3A_156 : i32
        %get3A = arith.index_cast %add3A_157 : i32 to index
        %get3A_158 = tpu.vector_load %arg6[%get3A] {strides = array<i32>} : memref<16384xi32, #tpu.memory_space<vmem>>, vector<16xi32>,
        %add3A_159 = arith.constant 8192 : i32
        %add3A_160 = arith.addi %add3A_159, %mul3A_153 : i32
        %add3A_161 = arith.constant 16 : i32
        %add3A_162 = arith.addi %add3A_160, %add3A_161 : i32
        %get3A_163 = arith.index_cast %add3A_162 : i32 to index
        %get3A_164 = tpu.vector_load %arg6[%get3A_163] {strides = array<i32>} : memref<16384xi32, #tpu.memory_space<vmem>>, vector<16xi32>,
        %add3A_165 = arith.constant 8192 : i32
        %add3A_166 = arith.addi %add3A_165, %mul3A_153 : i32
        %add3A_167 = arith.constant 32 : i32
        %add3A_168 = arith.addi %add3A_166, %add3A_167 : i32
        %get3A_169 = arith.index_cast %add3A_168 : i32 to index
        %get3A_170 = tpu.vector_load %arg6[%get3A_169] {strides = array<i32>} : memref<16384xi32, #tpu.memory_space<vmem>>, vector<16xi32>,
        %add3A_171 = arith.constant 8192 : i32
        %add3A_172 = arith.addi %add3A_171, %mul3A_153 : i32
        %add3A_173 = arith.constant 48 : i32
        %add3A_174 = arith.addi %add3A_172, %add3A_173 : i32
        %get3A_175 = arith.index_cast %add3A_174 : i32 to index
        %get3A_176 = tpu.vector_load %arg6[%get3A_175] {strides = array<i32>} : memref<16384xi32, #tpu.memory_space<vmem>>, vector<16xi32>,
        %add3A_177 = arith.constant 8192 : i32
        %add3A_178 = arith.addi %add3A_177, %mul3A_153 : i32
        %add3A_179 = arith.constant 64 : i32
        %add3A_180 = arith.addi %add3A_178, %add3A_179 : i32
        %get3A_181 = arith.index_cast %add3A_180 : i32 to index
        %get3A_182 = tpu.vector_load %arg6[%get3A_181] {strides = array<i32>} : memref<16384xi32, #tpu.memory_space<vmem>>, vector<16xi32>,
        %add3A_183 = arith.constant 8192 : i32
        %add3A_184 = arith.addi %add3A_183, %mul3A_153 : i32
        %add3A_185 = arith.constant 80 : i32
        %add3A_186 = arith.addi %add3A_184, %add3A_185 : i32
        %get3A_187 = arith.index_cast %add3A_186 : i32 to index
        %get3A_188 = tpu.vector_load %arg6[%get3A_187] {strides = array<i32>} : memref<16384xi32, #tpu.memory_space<vmem>>, vector<16xi32>,
        %add3A_189 = arith.constant 8192 : i32
        %add3A_190 = arith.addi %add3A_189, %mul3A_153 : i32
        %add3A_191 = arith.constant 96 : i32
        %add3A_192 = arith.addi %add3A_190, %add3A_191 : i32
        %get3A_193 = arith.index_cast %add3A_192 : i32 to index
        %get3A_194 = tpu.vector_load %arg6[%get3A_193] {strides = array<i32>} : memref<16384xi32, #tpu.memory_space<vmem>>, vector<16xi32>,
        %add3A_195 = arith.constant 8192 : i32
        %add3A_196 = arith.addi %add3A_195, %mul3A_153 : i32
        %add3A_197 = arith.constant 112 : i32
        %add3A_198 = arith.addi %add3A_196, %add3A_197 : i32
        %get3A_199 = arith.index_cast %add3A_198 : i32 to index
        %get3A_200 = tpu.vector_load %arg6[%get3A_199] {strides = array<i32>} : memref<16384xi32, #tpu.memory_space<vmem>>, vector<16xi32>,
        %gather3A = tpu.vector_load_idx %arg5[%get3A_158] : memref<100000xf32, #tpu.memory_space<vmem>>[vector<16xi32>], vector<16xf32>,
        %gather3A_201 = tpu.vector_load_idx %arg5[%get3A_164] : memref<100000xf32, #tpu.memory_space<vmem>>[vector<16xi32>], vector<16xf32>,
        %gather3A_202 = tpu.vector_load_idx %arg5[%get3A_170] : memref<100000xf32, #tpu.memory_space<vmem>>[vector<16xi32>], vector<16xf32>,
        %gather3A_203 = tpu.vector_load_idx %arg5[%get3A_176] : memref<100000xf32, #tpu.memory_space<vmem>>[vector<16xi32>], vector<16xf32>,
        %gather3A_204 = tpu.vector_load_idx %arg5[%get3A_182] : memref<100000xf32, #tpu.memory_space<vmem>>[vector<16xi32>], vector<16xf32>,
        %gather3A_205 = tpu.vector_load_idx %arg5[%get3A_188] : memref<100000xf32, #tpu.memory_space<vmem>>[vector<16xi32>], vector<16xf32>,
        %gather3A_206 = tpu.vector_load_idx %arg5[%get3A_194] : memref<100000xf32, #tpu.memory_space<vmem>>[vector<16xi32>], vector<16xf32>,
        %gather3A_207 = tpu.vector_load_idx %arg5[%get3A_200] : memref<100000xf32, #tpu.memory_space<vmem>>[vector<16xi32>], vector<16xf32>,
        %add3A_208 = arith.constant 0 : i32
        %add3A_209 = arith.addi %mul3A_153, %add3A_208 : i32
        %swap3A = arith.index_cast %add3A_209 : i32 to index
        %swap3A_210 = tpu.vector_load %arg7[%swap3A] {strides = array<i32>} : memref<4096xf32, #tpu.memory_space<vmem>>, vector<16xf32>,
        tpu.vector_store %arg7[%swap3A], %gather3A {strides = array<i32>} : memref<4096xf32, #tpu.memory_space<vmem>>, vector<16xf32>,
        %add3A_211 = arith.constant 16 : i32
        %add3A_212 = arith.addi %mul3A_153, %add3A_211 : i32
        %swap3A_213 = arith.index_cast %add3A_212 : i32 to index
        %swap3A_214 = tpu.vector_load %arg7[%swap3A_213] {strides = array<i32>} : memref<4096xf32, #tpu.memory_space<vmem>>, vector<16xf32>,
        tpu.vector_store %arg7[%swap3A_213], %gather3A_201 {strides = array<i32>} : memref<4096xf32, #tpu.memory_space<vmem>>, vector<16xf32>,
        %add3A_215 = arith.constant 32 : i32
        %add3A_216 = arith.addi %mul3A_153, %add3A_215 : i32
        %swap3A_217 = arith.index_cast %add3A_216 : i32 to index
        %swap3A_218 = tpu.vector_load %arg7[%swap3A_217] {strides = array<i32>} : memref<4096xf32, #tpu.memory_space<vmem>>, vector<16xf32>,
        tpu.vector_store %arg7[%swap3A_217], %gather3A_202 {strides = array<i32>} : memref<4096xf32, #tpu.memory_space<vmem>>, vector<16xf32>,
        %add3A_219 = arith.constant 48 : i32
        %add3A_220 = arith.addi %mul3A_153, %add3A_219 : i32
        %swap3A_221 = arith.index_cast %add3A_220 : i32 to index
        %swap3A_222 = tpu.vector_load %arg7[%swap3A_221] {strides = array<i32>} : memref<4096xf32, #tpu.memory_space<vmem>>, vector<16xf32>,
        tpu.vector_store %arg7[%swap3A_221], %gather3A_203 {strides = array<i32>} : memref<4096xf32, #tpu.memory_space<vmem>>, vector<16xf32>,
        %add3A_223 = arith.constant 64 : i32
        %add3A_224 = arith.addi %mul3A_153, %add3A_223 : i32
        %swap3A_225 = arith.index_cast %add3A_224 : i32 to index
        %swap3A_226 = tpu.vector_load %arg7[%swap3A_225] {strides = array<i32>} : memref<4096xf32, #tpu.memory_space<vmem>>, vector<16xf32>,
        tpu.vector_store %arg7[%swap3A_225], %gather3A_204 {strides = array<i32>} : memref<4096xf32, #tpu.memory_space<vmem>>, vector<16xf32>,
        %add3A_227 = arith.constant 80 : i32
        %add3A_228 = arith.addi %mul3A_153, %add3A_227 : i32
        %swap3A_229 = arith.index_cast %add3A_228 : i32 to index
        %swap3A_230 = tpu.vector_load %arg7[%swap3A_229] {strides = array<i32>} : memref<4096xf32, #tpu.memory_space<vmem>>, vector<16xf32>,
        tpu.vector_store %arg7[%swap3A_229], %gather3A_205 {strides = array<i32>} : memref<4096xf32, #tpu.memory_space<vmem>>, vector<16xf32>,
        %add3A_231 = arith.constant 96 : i32
        %add3A_232 = arith.addi %mul3A_153, %add3A_231 : i32
        %swap3A_233 = arith.index_cast %add3A_232 : i32 to index
        %swap3A_234 = tpu.vector_load %arg7[%swap3A_233] {strides = array<i32>} : memref<4096xf32, #tpu.memory_space<vmem>>, vector<16xf32>,
        tpu.vector_store %arg7[%swap3A_233], %gather3A_206 {strides = array<i32>} : memref<4096xf32, #tpu.memory_space<vmem>>, vector<16xf32>,
        %add3A_235 = arith.constant 112 : i32
        %add3A_236 = arith.addi %mul3A_153, %add3A_235 : i32
        %swap3A_237 = arith.index_cast %add3A_236 : i32 to index
        %swap3A_238 = tpu.vector_load %arg7[%swap3A_237] {strides = array<i32>} : memref<4096xf32, #tpu.memory_space<vmem>>, vector<16xf32>,
        tpu.vector_store %arg7[%swap3A_237], %gather3A_207 {strides = array<i32>} : memref<4096xf32, #tpu.memory_space<vmem>>, vector<16xf32>,
        %scan3A_239 = arith.constant 1 : i32
        %scan3A_240 = arith.addi %scan3A_151, %scan3A_239 : i32
        %mul3A_241 = arith.constant 128 : i32
        %mul3A_242 = arith.muli %scan3A_240, %mul3A_241 : i32
        %add3A_243 = arith.constant 8192 : i32
        %add3A_244 = arith.addi %add3A_243, %mul3A_242 : i32
        %add3A_245 = arith.constant 0 : i32
        %add3A_246 = arith.addi %add3A_244, %add3A_245 : i32
        %get3A_247 = arith.index_cast %add3A_246 : i32 to index
        %get3A_248 = tpu.vector_load %arg6[%get3A_247] {strides = array<i32>} : memref<16384xi32, #tpu.memory_space<vmem>>, vector<16xi32>,
        %add3A_249 = arith.constant 8192 : i32
        %add3A_250 = arith.addi %add3A_249, %mul3A_242 : i32
        %add3A_251 = arith.constant 16 : i32
        %add3A_252 = arith.addi %add3A_250, %add3A_251 : i32
        %get3A_253 = arith.index_cast %add3A_252 : i32 to index
        %get3A_254 = tpu.vector_load %arg6[%get3A_253] {strides = array<i32>} : memref<16384xi32, #tpu.memory_space<vmem>>, vector<16xi32>,
        %add3A_255 = arith.constant 8192 : i32
        %add3A_256 = arith.addi %add3A_255, %mul3A_242 : i32
        %add3A_257 = arith.constant 32 : i32
        %add3A_258 = arith.addi %add3A_256, %add3A_257 : i32
        %get3A_259 = arith.index_cast %add3A_258 : i32 to index
        %get3A_260 = tpu.vector_load %arg6[%get3A_259] {strides = array<i32>} : memref<16384xi32, #tpu.memory_space<vmem>>, vector<16xi32>,
        %add3A_261 = arith.constant 8192 : i32
        %add3A_262 = arith.addi %add3A_261, %mul3A_242 : i32
        %add3A_263 = arith.constant 48 : i32
        %add3A_264 = arith.addi %add3A_262, %add3A_263 : i32
        %get3A_265 = arith.index_cast %add3A_264 : i32 to index
        %get3A_266 = tpu.vector_load %arg6[%get3A_265] {strides = array<i32>} : memref<16384xi32, #tpu.memory_space<vmem>>, vector<16xi32>,
        %add3A_267 = arith.constant 8192 : i32
        %add3A_268 = arith.addi %add3A_267, %mul3A_242 : i32
        %add3A_269 = arith.constant 64 : i32
        %add3A_270 = arith.addi %add3A_268, %add3A_269 : i32
        %get3A_271 = arith.index_cast %add3A_270 : i32 to index
        %get3A_272 = tpu.vector_load %arg6[%get3A_271] {strides = array<i32>} : memref<16384xi32, #tpu.memory_space<vmem>>, vector<16xi32>,
        %add3A_273 = arith.constant 8192 : i32
        %add3A_274 = arith.addi %add3A_273, %mul3A_242 : i32
        %add3A_275 = arith.constant 80 : i32
        %add3A_276 = arith.addi %add3A_274, %add3A_275 : i32
        %get3A_277 = arith.index_cast %add3A_276 : i32 to index
        %get3A_278 = tpu.vector_load %arg6[%get3A_277] {strides = array<i32>} : memref<16384xi32, #tpu.memory_space<vmem>>, vector<16xi32>,
        %add3A_279 = arith.constant 8192 : i32
        %add3A_280 = arith.addi %add3A_279, %mul3A_242 : i32
        %add3A_281 = arith.constant 96 : i32
        %add3A_282 = arith.addi %add3A_280, %add3A_281 : i32
        %get3A_283 = arith.index_cast %add3A_282 : i32 to index
        %get3A_284 = tpu.vector_load %arg6[%get3A_283] {strides = array<i32>} : memref<16384xi32, #tpu.memory_space<vmem>>, vector<16xi32>,
        %add3A_285 = arith.constant 8192 : i32
        %add3A_286 = arith.addi %add3A_285, %mul3A_242 : i32
        %add3A_287 = arith.constant 112 : i32
        %add3A_288 = arith.addi %add3A_286, %add3A_287 : i32
        %get3A_289 = arith.index_cast %add3A_288 : i32 to index
        %get3A_290 = tpu.vector_load %arg6[%get3A_289] {strides = array<i32>} : memref<16384xi32, #tpu.memory_space<vmem>>, vector<16xi32>,
        %gather3A_291 = tpu.vector_load_idx %arg5[%get3A_248] : memref<100000xf32, #tpu.memory_space<vmem>>[vector<16xi32>], vector<16xf32>,
        %gather3A_292 = tpu.vector_load_idx %arg5[%get3A_254] : memref<100000xf32, #tpu.memory_space<vmem>>[vector<16xi32>], vector<16xf32>,
        %gather3A_293 = tpu.vector_load_idx %arg5[%get3A_260] : memref<100000xf32, #tpu.memory_space<vmem>>[vector<16xi32>], vector<16xf32>,
        %gather3A_294 = tpu.vector_load_idx %arg5[%get3A_266] : memref<100000xf32, #tpu.memory_space<vmem>>[vector<16xi32>], vector<16xf32>,
        %gather3A_295 = tpu.vector_load_idx %arg5[%get3A_272] : memref<100000xf32, #tpu.memory_space<vmem>>[vector<16xi32>], vector<16xf32>,
        %gather3A_296 = tpu.vector_load_idx %arg5[%get3A_278] : memref<100000xf32, #tpu.memory_space<vmem>>[vector<16xi32>], vector<16xf32>,
        %gather3A_297 = tpu.vector_load_idx %arg5[%get3A_284] : memref<100000xf32, #tpu.memory_space<vmem>>[vector<16xi32>], vector<16xf32>,
        %gather3A_298 = tpu.vector_load_idx %arg5[%get3A_290] : memref<100000xf32, #tpu.memory_space<vmem>>[vector<16xi32>], vector<16xf32>,
        %add3A_299 = arith.constant 0 : i32
        %add3A_300 = arith.addi %mul3A_242, %add3A_299 : i32
        %swap3A_301 = arith.index_cast %add3A_300 : i32 to index
        %swap3A_302 = tpu.vector_load %arg7[%swap3A_301] {strides = array<i32>} : memref<4096xf32, #tpu.memory_space<vmem>>, vector<16xf32>,
        tpu.vector_store %arg7[%swap3A_301], %gather3A_291 {strides = array<i32>} : memref<4096xf32, #tpu.memory_space<vmem>>, vector<16xf32>,
        %add3A_303 = arith.constant 16 : i32
        %add3A_304 = arith.addi %mul3A_242, %add3A_303 : i32
        %swap3A_305 = arith.index_cast %add3A_304 : i32 to index
        %swap3A_306 = tpu.vector_load %arg7[%swap3A_305] {strides = array<i32>} : memref<4096xf32, #tpu.memory_space<vmem>>, vector<16xf32>,
        tpu.vector_store %arg7[%swap3A_305], %gather3A_292 {strides = array<i32>} : memref<4096xf32, #tpu.memory_space<vmem>>, vector<16xf32>,
        %add3A_307 = arith.constant 32 : i32
        %add3A_308 = arith.addi %mul3A_242, %add3A_307 : i32
        %swap3A_309 = arith.index_cast %add3A_308 : i32 to index
        %swap3A_310 = tpu.vector_load %arg7[%swap3A_309] {strides = array<i32>} : memref<4096xf32, #tpu.memory_space<vmem>>, vector<16xf32>,
        tpu.vector_store %arg7[%swap3A_309], %gather3A_293 {strides = array<i32>} : memref<4096xf32, #tpu.memory_space<vmem>>, vector<16xf32>,
        %add3A_311 = arith.constant 48 : i32
        %add3A_312 = arith.addi %mul3A_242, %add3A_311 : i32
        %swap3A_313 = arith.index_cast %add3A_312 : i32 to index
        %swap3A_314 = tpu.vector_load %arg7[%swap3A_313] {strides = array<i32>} : memref<4096xf32, #tpu.memory_space<vmem>>, vector<16xf32>,
        tpu.vector_store %arg7[%swap3A_313], %gather3A_294 {strides = array<i32>} : memref<4096xf32, #tpu.memory_space<vmem>>, vector<16xf32>,
        %add3A_315 = arith.constant 64 : i32
        %add3A_316 = arith.addi %mul3A_242, %add3A_315 : i32
        %swap3A_317 = arith.index_cast %add3A_316 : i32 to index
        %swap3A_318 = tpu.vector_load %arg7[%swap3A_317] {strides = array<i32>} : memref<4096xf32, #tpu.memory_space<vmem>>, vector<16xf32>,
        tpu.vector_store %arg7[%swap3A_317], %gather3A_295 {strides = array<i32>} : memref<4096xf32, #tpu.memory_space<vmem>>, vector<16xf32>,
        %add3A_319 = arith.constant 80 : i32
        %add3A_320 = arith.addi %mul3A_242, %add3A_319 : i32
        %swap3A_321 = arith.index_cast %add3A_320 : i32 to index
        %swap3A_322 = tpu.vector_load %arg7[%swap3A_321] {strides = array<i32>} : memref<4096xf32, #tpu.memory_space<vmem>>, vector<16xf32>,
        tpu.vector_store %arg7[%swap3A_321], %gather3A_296 {strides = array<i32>} : memref<4096xf32, #tpu.memory_space<vmem>>, vector<16xf32>,
        %add3A_323 = arith.constant 96 : i32
        %add3A_324 = arith.addi %mul3A_242, %add3A_323 : i32
        %swap3A_325 = arith.index_cast %add3A_324 : i32 to index
        %swap3A_326 = tpu.vector_load %arg7[%swap3A_325] {strides = array<i32>} : memref<4096xf32, #tpu.memory_space<vmem>>, vector<16xf32>,
        tpu.vector_store %arg7[%swap3A_325], %gather3A_297 {strides = array<i32>} : memref<4096xf32, #tpu.memory_space<vmem>>, vector<16xf32>,
        %add3A_327 = arith.constant 112 : i32
        %add3A_328 = arith.addi %mul3A_242, %add3A_327 : i32
        %swap3A_329 = arith.index_cast %add3A_328 : i32 to index
        %swap3A_330 = tpu.vector_load %arg7[%swap3A_329] {strides = array<i32>} : memref<4096xf32, #tpu.memory_space<vmem>>, vector<16xf32>,
        tpu.vector_store %arg7[%swap3A_329], %gather3A_298 {strides = array<i32>} : memref<4096xf32, #tpu.memory_space<vmem>>, vector<16xf32>,
      }
      %scan3A_123 = arith.constant 32 : i32
      %dma_start3A_124 = arith.constant 8192 : i32
      %dma_start3A_125 = tpu.memref_slice %arg4[%add3A_24, %dma_start3A_124] : memref<832x16384xf32, #tpu.memory_space<hbm>> -> memref<1x4096xf32, #tpu.memory_space<hbm>>
      %dma_start3A_126 = tpu.memref_squeeze %dma_start3A_125 : memref<1x4096xf32, #tpu.memory_space<hbm>> -> memref<4096xf32, #tpu.memory_space<hbm>>
      %dma_start3A_127 = arith.constant 8192 : i32
      %dma_start3A_128 = tpu.memref_slice %arg4[%add3A_24, %dma_start3A_127] : memref<832x16384xf32, #tpu.memory_space<hbm>> -> memref<1x4096xf32, #tpu.memory_space<hbm>>
      %dma_start3A_129 = tpu.memref_squeeze %dma_start3A_128 : memref<1x4096xf32, #tpu.memory_space<hbm>> -> memref<4096xf32, #tpu.memory_space<hbm>>
      tpu.enqueue_dma source(%arg7 : memref<4096xf32, #tpu.memory_space<vmem>>) target(%dma_start3A_129 : memref<4096xf32, #tpu.memory_space<hbm>>) target_semaphore(%arg10 : memref<!tpu.dma_semaphore, #tpu.memory_space<semaphore_mem>>)
      %mul3A_130 = arith.constant 4 : i32
      %mul3A_131 = arith.muli %scan3A_20, %mul3A_130 : i32
      %add3A_132 = arith.constant 3 : i32
      %add3A_133 = arith.addi %mul3A_131, %add3A_132 : i32
      %ge3A_134 = arith.constant 2 : i32
      %ge3A_135 = arith.cmpi sge, %add3A_133, %ge3A_134 : i32
      %convert_element_type3A_136 = arith.extui %ge3A_135 : i1 to i32
      %cond3A_137 = arith.constant 0 : i32
      %cond3A_138 = arith.cmpi ne, %convert_element_type3A_136, %cond3A_137 : i32
      scf.if %cond3A_138 {
        %dma_wait3A_151 = arith.constant 0 : i32
        %dma_wait3A_152 = tpu.memref_slice %arg4[%add3A_24, %dma_wait3A_151] : memref<832x16384xf32, #tpu.memory_space<hbm>> -> memref<1x4096xf32, #tpu.memory_space<hbm>>
        %dma_wait3A_153 = tpu.memref_squeeze %dma_wait3A_152 : memref<1x4096xf32, #tpu.memory_space<hbm>> -> memref<4096xf32, #tpu.memory_space<hbm>>
        %dma_wait3A_154 = arith.constant 0 : i32
        %dma_wait3A_155 = tpu.memref_slice %arg4[%add3A_24, %dma_wait3A_154] : memref<832x16384xf32, #tpu.memory_space<hbm>> -> memref<1x4096xf32, #tpu.memory_space<hbm>>
        %dma_wait3A_156 = tpu.memref_squeeze %dma_wait3A_155 : memref<1x4096xf32, #tpu.memory_space<hbm>> -> memref<4096xf32, #tpu.memory_space<hbm>>
        tpu.wait_dma2 semaphore(%arg11 : memref<!tpu.dma_semaphore, #tpu.memory_space<semaphore_mem>>) src(%arg8 : memref<4096xf32, #tpu.memory_space<vmem>>) dst(%dma_wait3A_156 : memref<4096xf32, #tpu.memory_space<hbm>>)
      } else {
      }
      %scan3A_139 = arith.constant 0 : i32
      %scan3A_140 = arith.constant 0 : i32
      %scan3A_141 = arith.constant 32 : i32
      %scan3A_142 = arith.addi %scan3A_140, %scan3A_141 : i32
      %scan3A_143 = arith.constant 2 : i32
      scf.for %scan3A_151 = %scan3A_140 to %scan3A_142 step %scan3A_143  : i32 {
        %mul3A_152 = arith.constant 128 : i32
        %mul3A_153 = arith.muli %scan3A_151, %mul3A_152 : i32
        %add3A_154 = arith.constant 12288 : i32
        %add3A_155 = arith.addi %add3A_154, %mul3A_153 : i32
        %add3A_156 = arith.constant 0 : i32
        %add3A_157 = arith.addi %add3A_155, %add3A_156 : i32
        %get3A = arith.index_cast %add3A_157 : i32 to index
        %get3A_158 = tpu.vector_load %arg6[%get3A] {strides = array<i32>} : memref<16384xi32, #tpu.memory_space<vmem>>, vector<16xi32>,
        %add3A_159 = arith.constant 12288 : i32
        %add3A_160 = arith.addi %add3A_159, %mul3A_153 : i32
        %add3A_161 = arith.constant 16 : i32
        %add3A_162 = arith.addi %add3A_160, %add3A_161 : i32
        %get3A_163 = arith.index_cast %add3A_162 : i32 to index
        %get3A_164 = tpu.vector_load %arg6[%get3A_163] {strides = array<i32>} : memref<16384xi32, #tpu.memory_space<vmem>>, vector<16xi32>,
        %add3A_165 = arith.constant 12288 : i32
        %add3A_166 = arith.addi %add3A_165, %mul3A_153 : i32
        %add3A_167 = arith.constant 32 : i32
        %add3A_168 = arith.addi %add3A_166, %add3A_167 : i32
        %get3A_169 = arith.index_cast %add3A_168 : i32 to index
        %get3A_170 = tpu.vector_load %arg6[%get3A_169] {strides = array<i32>} : memref<16384xi32, #tpu.memory_space<vmem>>, vector<16xi32>,
        %add3A_171 = arith.constant 12288 : i32
        %add3A_172 = arith.addi %add3A_171, %mul3A_153 : i32
        %add3A_173 = arith.constant 48 : i32
        %add3A_174 = arith.addi %add3A_172, %add3A_173 : i32
        %get3A_175 = arith.index_cast %add3A_174 : i32 to index
        %get3A_176 = tpu.vector_load %arg6[%get3A_175] {strides = array<i32>} : memref<16384xi32, #tpu.memory_space<vmem>>, vector<16xi32>,
        %add3A_177 = arith.constant 12288 : i32
        %add3A_178 = arith.addi %add3A_177, %mul3A_153 : i32
        %add3A_179 = arith.constant 64 : i32
        %add3A_180 = arith.addi %add3A_178, %add3A_179 : i32
        %get3A_181 = arith.index_cast %add3A_180 : i32 to index
        %get3A_182 = tpu.vector_load %arg6[%get3A_181] {strides = array<i32>} : memref<16384xi32, #tpu.memory_space<vmem>>, vector<16xi32>,
        %add3A_183 = arith.constant 12288 : i32
        %add3A_184 = arith.addi %add3A_183, %mul3A_153 : i32
        %add3A_185 = arith.constant 80 : i32
        %add3A_186 = arith.addi %add3A_184, %add3A_185 : i32
        %get3A_187 = arith.index_cast %add3A_186 : i32 to index
        %get3A_188 = tpu.vector_load %arg6[%get3A_187] {strides = array<i32>} : memref<16384xi32, #tpu.memory_space<vmem>>, vector<16xi32>,
        %add3A_189 = arith.constant 12288 : i32
        %add3A_190 = arith.addi %add3A_189, %mul3A_153 : i32
        %add3A_191 = arith.constant 96 : i32
        %add3A_192 = arith.addi %add3A_190, %add3A_191 : i32
        %get3A_193 = arith.index_cast %add3A_192 : i32 to index
        %get3A_194 = tpu.vector_load %arg6[%get3A_193] {strides = array<i32>} : memref<16384xi32, #tpu.memory_space<vmem>>, vector<16xi32>,
        %add3A_195 = arith.constant 12288 : i32
        %add3A_196 = arith.addi %add3A_195, %mul3A_153 : i32
        %add3A_197 = arith.constant 112 : i32
        %add3A_198 = arith.addi %add3A_196, %add3A_197 : i32
        %get3A_199 = arith.index_cast %add3A_198 : i32 to index
        %get3A_200 = tpu.vector_load %arg6[%get3A_199] {strides = array<i32>} : memref<16384xi32, #tpu.memory_space<vmem>>, vector<16xi32>,
        %gather3A = tpu.vector_load_idx %arg5[%get3A_158] : memref<100000xf32, #tpu.memory_space<vmem>>[vector<16xi32>], vector<16xf32>,
        %gather3A_201 = tpu.vector_load_idx %arg5[%get3A_164] : memref<100000xf32, #tpu.memory_space<vmem>>[vector<16xi32>], vector<16xf32>,
        %gather3A_202 = tpu.vector_load_idx %arg5[%get3A_170] : memref<100000xf32, #tpu.memory_space<vmem>>[vector<16xi32>], vector<16xf32>,
        %gather3A_203 = tpu.vector_load_idx %arg5[%get3A_176] : memref<100000xf32, #tpu.memory_space<vmem>>[vector<16xi32>], vector<16xf32>,
        %gather3A_204 = tpu.vector_load_idx %arg5[%get3A_182] : memref<100000xf32, #tpu.memory_space<vmem>>[vector<16xi32>], vector<16xf32>,
        %gather3A_205 = tpu.vector_load_idx %arg5[%get3A_188] : memref<100000xf32, #tpu.memory_space<vmem>>[vector<16xi32>], vector<16xf32>,
        %gather3A_206 = tpu.vector_load_idx %arg5[%get3A_194] : memref<100000xf32, #tpu.memory_space<vmem>>[vector<16xi32>], vector<16xf32>,
        %gather3A_207 = tpu.vector_load_idx %arg5[%get3A_200] : memref<100000xf32, #tpu.memory_space<vmem>>[vector<16xi32>], vector<16xf32>,
        %add3A_208 = arith.constant 0 : i32
        %add3A_209 = arith.addi %mul3A_153, %add3A_208 : i32
        %swap3A = arith.index_cast %add3A_209 : i32 to index
        %swap3A_210 = tpu.vector_load %arg8[%swap3A] {strides = array<i32>} : memref<4096xf32, #tpu.memory_space<vmem>>, vector<16xf32>,
        tpu.vector_store %arg8[%swap3A], %gather3A {strides = array<i32>} : memref<4096xf32, #tpu.memory_space<vmem>>, vector<16xf32>,
        %add3A_211 = arith.constant 16 : i32
        %add3A_212 = arith.addi %mul3A_153, %add3A_211 : i32
        %swap3A_213 = arith.index_cast %add3A_212 : i32 to index
        %swap3A_214 = tpu.vector_load %arg8[%swap3A_213] {strides = array<i32>} : memref<4096xf32, #tpu.memory_space<vmem>>, vector<16xf32>,
        tpu.vector_store %arg8[%swap3A_213], %gather3A_201 {strides = array<i32>} : memref<4096xf32, #tpu.memory_space<vmem>>, vector<16xf32>,
        %add3A_215 = arith.constant 32 : i32
        %add3A_216 = arith.addi %mul3A_153, %add3A_215 : i32
        %swap3A_217 = arith.index_cast %add3A_216 : i32 to index
        %swap3A_218 = tpu.vector_load %arg8[%swap3A_217] {strides = array<i32>} : memref<4096xf32, #tpu.memory_space<vmem>>, vector<16xf32>,
        tpu.vector_store %arg8[%swap3A_217], %gather3A_202 {strides = array<i32>} : memref<4096xf32, #tpu.memory_space<vmem>>, vector<16xf32>,
        %add3A_219 = arith.constant 48 : i32
        %add3A_220 = arith.addi %mul3A_153, %add3A_219 : i32
        %swap3A_221 = arith.index_cast %add3A_220 : i32 to index
        %swap3A_222 = tpu.vector_load %arg8[%swap3A_221] {strides = array<i32>} : memref<4096xf32, #tpu.memory_space<vmem>>, vector<16xf32>,
        tpu.vector_store %arg8[%swap3A_221], %gather3A_203 {strides = array<i32>} : memref<4096xf32, #tpu.memory_space<vmem>>, vector<16xf32>,
        %add3A_223 = arith.constant 64 : i32
        %add3A_224 = arith.addi %mul3A_153, %add3A_223 : i32
        %swap3A_225 = arith.index_cast %add3A_224 : i32 to index
        %swap3A_226 = tpu.vector_load %arg8[%swap3A_225] {strides = array<i32>} : memref<4096xf32, #tpu.memory_space<vmem>>, vector<16xf32>,
        tpu.vector_store %arg8[%swap3A_225], %gather3A_204 {strides = array<i32>} : memref<4096xf32, #tpu.memory_space<vmem>>, vector<16xf32>,
        %add3A_227 = arith.constant 80 : i32
        %add3A_228 = arith.addi %mul3A_153, %add3A_227 : i32
        %swap3A_229 = arith.index_cast %add3A_228 : i32 to index
        %swap3A_230 = tpu.vector_load %arg8[%swap3A_229] {strides = array<i32>} : memref<4096xf32, #tpu.memory_space<vmem>>, vector<16xf32>,
        tpu.vector_store %arg8[%swap3A_229], %gather3A_205 {strides = array<i32>} : memref<4096xf32, #tpu.memory_space<vmem>>, vector<16xf32>,
        %add3A_231 = arith.constant 96 : i32
        %add3A_232 = arith.addi %mul3A_153, %add3A_231 : i32
        %swap3A_233 = arith.index_cast %add3A_232 : i32 to index
        %swap3A_234 = tpu.vector_load %arg8[%swap3A_233] {strides = array<i32>} : memref<4096xf32, #tpu.memory_space<vmem>>, vector<16xf32>,
        tpu.vector_store %arg8[%swap3A_233], %gather3A_206 {strides = array<i32>} : memref<4096xf32, #tpu.memory_space<vmem>>, vector<16xf32>,
        %add3A_235 = arith.constant 112 : i32
        %add3A_236 = arith.addi %mul3A_153, %add3A_235 : i32
        %swap3A_237 = arith.index_cast %add3A_236 : i32 to index
        %swap3A_238 = tpu.vector_load %arg8[%swap3A_237] {strides = array<i32>} : memref<4096xf32, #tpu.memory_space<vmem>>, vector<16xf32>,
        tpu.vector_store %arg8[%swap3A_237], %gather3A_207 {strides = array<i32>} : memref<4096xf32, #tpu.memory_space<vmem>>, vector<16xf32>,
        %scan3A_239 = arith.constant 1 : i32
        %scan3A_240 = arith.addi %scan3A_151, %scan3A_239 : i32
        %mul3A_241 = arith.constant 128 : i32
        %mul3A_242 = arith.muli %scan3A_240, %mul3A_241 : i32
        %add3A_243 = arith.constant 12288 : i32
        %add3A_244 = arith.addi %add3A_243, %mul3A_242 : i32
        %add3A_245 = arith.constant 0 : i32
        %add3A_246 = arith.addi %add3A_244, %add3A_245 : i32
        %get3A_247 = arith.index_cast %add3A_246 : i32 to index
        %get3A_248 = tpu.vector_load %arg6[%get3A_247] {strides = array<i32>} : memref<16384xi32, #tpu.memory_space<vmem>>, vector<16xi32>,
        %add3A_249 = arith.constant 12288 : i32
        %add3A_250 = arith.addi %add3A_249, %mul3A_242 : i32
        %add3A_251 = arith.constant 16 : i32
        %add3A_252 = arith.addi %add3A_250, %add3A_251 : i32
        %get3A_253 = arith.index_cast %add3A_252 : i32 to index
        %get3A_254 = tpu.vector_load %arg6[%get3A_253] {strides = array<i32>} : memref<16384xi32, #tpu.memory_space<vmem>>, vector<16xi32>,
        %add3A_255 = arith.constant 12288 : i32
        %add3A_256 = arith.addi %add3A_255, %mul3A_242 : i32
        %add3A_257 = arith.constant 32 : i32
        %add3A_258 = arith.addi %add3A_256, %add3A_257 : i32
        %get3A_259 = arith.index_cast %add3A_258 : i32 to index
        %get3A_260 = tpu.vector_load %arg6[%get3A_259] {strides = array<i32>} : memref<16384xi32, #tpu.memory_space<vmem>>, vector<16xi32>,
        %add3A_261 = arith.constant 12288 : i32
        %add3A_262 = arith.addi %add3A_261, %mul3A_242 : i32
        %add3A_263 = arith.constant 48 : i32
        %add3A_264 = arith.addi %add3A_262, %add3A_263 : i32
        %get3A_265 = arith.index_cast %add3A_264 : i32 to index
        %get3A_266 = tpu.vector_load %arg6[%get3A_265] {strides = array<i32>} : memref<16384xi32, #tpu.memory_space<vmem>>, vector<16xi32>,
        %add3A_267 = arith.constant 12288 : i32
        %add3A_268 = arith.addi %add3A_267, %mul3A_242 : i32
        %add3A_269 = arith.constant 64 : i32
        %add3A_270 = arith.addi %add3A_268, %add3A_269 : i32
        %get3A_271 = arith.index_cast %add3A_270 : i32 to index
        %get3A_272 = tpu.vector_load %arg6[%get3A_271] {strides = array<i32>} : memref<16384xi32, #tpu.memory_space<vmem>>, vector<16xi32>,
        %add3A_273 = arith.constant 12288 : i32
        %add3A_274 = arith.addi %add3A_273, %mul3A_242 : i32
        %add3A_275 = arith.constant 80 : i32
        %add3A_276 = arith.addi %add3A_274, %add3A_275 : i32
        %get3A_277 = arith.index_cast %add3A_276 : i32 to index
        %get3A_278 = tpu.vector_load %arg6[%get3A_277] {strides = array<i32>} : memref<16384xi32, #tpu.memory_space<vmem>>, vector<16xi32>,
        %add3A_279 = arith.constant 12288 : i32
        %add3A_280 = arith.addi %add3A_279, %mul3A_242 : i32
        %add3A_281 = arith.constant 96 : i32
        %add3A_282 = arith.addi %add3A_280, %add3A_281 : i32
        %get3A_283 = arith.index_cast %add3A_282 : i32 to index
        %get3A_284 = tpu.vector_load %arg6[%get3A_283] {strides = array<i32>} : memref<16384xi32, #tpu.memory_space<vmem>>, vector<16xi32>,
        %add3A_285 = arith.constant 12288 : i32
        %add3A_286 = arith.addi %add3A_285, %mul3A_242 : i32
        %add3A_287 = arith.constant 112 : i32
        %add3A_288 = arith.addi %add3A_286, %add3A_287 : i32
        %get3A_289 = arith.index_cast %add3A_288 : i32 to index
        %get3A_290 = tpu.vector_load %arg6[%get3A_289] {strides = array<i32>} : memref<16384xi32, #tpu.memory_space<vmem>>, vector<16xi32>,
        %gather3A_291 = tpu.vector_load_idx %arg5[%get3A_248] : memref<100000xf32, #tpu.memory_space<vmem>>[vector<16xi32>], vector<16xf32>,
        %gather3A_292 = tpu.vector_load_idx %arg5[%get3A_254] : memref<100000xf32, #tpu.memory_space<vmem>>[vector<16xi32>], vector<16xf32>,
        %gather3A_293 = tpu.vector_load_idx %arg5[%get3A_260] : memref<100000xf32, #tpu.memory_space<vmem>>[vector<16xi32>], vector<16xf32>,
        %gather3A_294 = tpu.vector_load_idx %arg5[%get3A_266] : memref<100000xf32, #tpu.memory_space<vmem>>[vector<16xi32>], vector<16xf32>,
        %gather3A_295 = tpu.vector_load_idx %arg5[%get3A_272] : memref<100000xf32, #tpu.memory_space<vmem>>[vector<16xi32>], vector<16xf32>,
        %gather3A_296 = tpu.vector_load_idx %arg5[%get3A_278] : memref<100000xf32, #tpu.memory_space<vmem>>[vector<16xi32>], vector<16xf32>,
        %gather3A_297 = tpu.vector_load_idx %arg5[%get3A_284] : memref<100000xf32, #tpu.memory_space<vmem>>[vector<16xi32>], vector<16xf32>,
        %gather3A_298 = tpu.vector_load_idx %arg5[%get3A_290] : memref<100000xf32, #tpu.memory_space<vmem>>[vector<16xi32>], vector<16xf32>,
        %add3A_299 = arith.constant 0 : i32
        %add3A_300 = arith.addi %mul3A_242, %add3A_299 : i32
        %swap3A_301 = arith.index_cast %add3A_300 : i32 to index
        %swap3A_302 = tpu.vector_load %arg8[%swap3A_301] {strides = array<i32>} : memref<4096xf32, #tpu.memory_space<vmem>>, vector<16xf32>,
        tpu.vector_store %arg8[%swap3A_301], %gather3A_291 {strides = array<i32>} : memref<4096xf32, #tpu.memory_space<vmem>>, vector<16xf32>,
        %add3A_303 = arith.constant 16 : i32
        %add3A_304 = arith.addi %mul3A_242, %add3A_303 : i32
        %swap3A_305 = arith.index_cast %add3A_304 : i32 to index
        %swap3A_306 = tpu.vector_load %arg8[%swap3A_305] {strides = array<i32>} : memref<4096xf32, #tpu.memory_space<vmem>>, vector<16xf32>,
        tpu.vector_store %arg8[%swap3A_305], %gather3A_292 {strides = array<i32>} : memref<4096xf32, #tpu.memory_space<vmem>>, vector<16xf32>,
        %add3A_307 = arith.constant 32 : i32
        %add3A_308 = arith.addi %mul3A_242, %add3A_307 : i32
        %swap3A_309 = arith.index_cast %add3A_308 : i32 to index
        %swap3A_310 = tpu.vector_load %arg8[%swap3A_309] {strides = array<i32>} : memref<4096xf32, #tpu.memory_space<vmem>>, vector<16xf32>,
        tpu.vector_store %arg8[%swap3A_309], %gather3A_293 {strides = array<i32>} : memref<4096xf32, #tpu.memory_space<vmem>>, vector<16xf32>,
        %add3A_311 = arith.constant 48 : i32
        %add3A_312 = arith.addi %mul3A_242, %add3A_311 : i32
        %swap3A_313 = arith.index_cast %add3A_312 : i32 to index
        %swap3A_314 = tpu.vector_load %arg8[%swap3A_313] {strides = array<i32>} : memref<4096xf32, #tpu.memory_space<vmem>>, vector<16xf32>,
        tpu.vector_store %arg8[%swap3A_313], %gather3A_294 {strides = array<i32>} : memref<4096xf32, #tpu.memory_space<vmem>>, vector<16xf32>,
        %add3A_315 = arith.constant 64 : i32
        %add3A_316 = arith.addi %mul3A_242, %add3A_315 : i32
        %swap3A_317 = arith.index_cast %add3A_316 : i32 to index
        %swap3A_318 = tpu.vector_load %arg8[%swap3A_317] {strides = array<i32>} : memref<4096xf32, #tpu.memory_space<vmem>>, vector<16xf32>,
        tpu.vector_store %arg8[%swap3A_317], %gather3A_295 {strides = array<i32>} : memref<4096xf32, #tpu.memory_space<vmem>>, vector<16xf32>,
        %add3A_319 = arith.constant 80 : i32
        %add3A_320 = arith.addi %mul3A_242, %add3A_319 : i32
        %swap3A_321 = arith.index_cast %add3A_320 : i32 to index
        %swap3A_322 = tpu.vector_load %arg8[%swap3A_321] {strides = array<i32>} : memref<4096xf32, #tpu.memory_space<vmem>>, vector<16xf32>,
        tpu.vector_store %arg8[%swap3A_321], %gather3A_296 {strides = array<i32>} : memref<4096xf32, #tpu.memory_space<vmem>>, vector<16xf32>,
        %add3A_323 = arith.constant 96 : i32
        %add3A_324 = arith.addi %mul3A_242, %add3A_323 : i32
        %swap3A_325 = arith.index_cast %add3A_324 : i32 to index
        %swap3A_326 = tpu.vector_load %arg8[%swap3A_325] {strides = array<i32>} : memref<4096xf32, #tpu.memory_space<vmem>>, vector<16xf32>,
        tpu.vector_store %arg8[%swap3A_325], %gather3A_297 {strides = array<i32>} : memref<4096xf32, #tpu.memory_space<vmem>>, vector<16xf32>,
        %add3A_327 = arith.constant 112 : i32
        %add3A_328 = arith.addi %mul3A_242, %add3A_327 : i32
        %swap3A_329 = arith.index_cast %add3A_328 : i32 to index
        %swap3A_330 = tpu.vector_load %arg8[%swap3A_329] {strides = array<i32>} : memref<4096xf32, #tpu.memory_space<vmem>>, vector<16xf32>,
        tpu.vector_store %arg8[%swap3A_329], %gather3A_298 {strides = array<i32>} : memref<4096xf32, #tpu.memory_space<vmem>>, vector<16xf32>,
      }
      %scan3A_144 = arith.constant 32 : i32
      %dma_start3A_145 = arith.constant 12288 : i32
      %dma_start3A_146 = tpu.memref_slice %arg4[%add3A_24, %dma_start3A_145] : memref<832x16384xf32, #tpu.memory_space<hbm>> -> memref<1x4096xf32, #tpu.memory_space<hbm>>
      %dma_start3A_147 = tpu.memref_squeeze %dma_start3A_146 : memref<1x4096xf32, #tpu.memory_space<hbm>> -> memref<4096xf32, #tpu.memory_space<hbm>>
      %dma_start3A_148 = arith.constant 12288 : i32
      %dma_start3A_149 = tpu.memref_slice %arg4[%add3A_24, %dma_start3A_148] : memref<832x16384xf32, #tpu.memory_space<hbm>> -> memref<1x4096xf32, #tpu.memory_space<hbm>>
      %dma_start3A_150 = tpu.memref_squeeze %dma_start3A_149 : memref<1x4096xf32, #tpu.memory_space<hbm>> -> memref<4096xf32, #tpu.memory_space<hbm>>
      tpu.enqueue_dma source(%arg8 : memref<4096xf32, #tpu.memory_space<vmem>>) target(%dma_start3A_150 : memref<4096xf32, #tpu.memory_space<hbm>>) target_semaphore(%arg11 : memref<!tpu.dma_semaphore, #tpu.memory_space<semaphore_mem>>)
      scf.yield %select_n3A : i32
    }
    %scan3A_6 = arith.constant 26 : i32
    %dma_wait3A = arith.constant 0 : i32
    %dma_wait3A_7 = arith.constant 0 : i32
    %dma_wait3A_8 = tpu.memref_slice %arg4[%dma_wait3A, %dma_wait3A_7] : memref<832x16384xf32, #tpu.memory_space<hbm>> -> memref<1x4096xf32, #tpu.memory_space<hbm>>
    %dma_wait3A_9 = tpu.memref_squeeze %dma_wait3A_8 : memref<1x4096xf32, #tpu.memory_space<hbm>> -> memref<4096xf32, #tpu.memory_space<hbm>>
    %dma_wait3A_10 = arith.constant 0 : i32
    %dma_wait3A_11 = tpu.memref_slice %arg4[%dma_wait3A, %dma_wait3A_10] : memref<832x16384xf32, #tpu.memory_space<hbm>> -> memref<1x4096xf32, #tpu.memory_space<hbm>>
    %dma_wait3A_12 = tpu.memref_squeeze %dma_wait3A_11 : memref<1x4096xf32, #tpu.memory_space<hbm>> -> memref<4096xf32, #tpu.memory_space<hbm>>
    tpu.wait_dma2 semaphore(%arg10 : memref<!tpu.dma_semaphore, #tpu.memory_space<semaphore_mem>>) src(%arg7 : memref<4096xf32, #tpu.memory_space<vmem>>) dst(%dma_wait3A_12 : memref<4096xf32, #tpu.memory_space<hbm>>)
    %dma_wait3A_13 = arith.constant 0 : i32
    %dma_wait3A_14 = arith.constant 0 : i32
    %dma_wait3A_15 = tpu.memref_slice %arg4[%dma_wait3A_13, %dma_wait3A_14] : memref<832x16384xf32, #tpu.memory_space<hbm>> -> memref<1x4096xf32, #tpu.memory_space<hbm>>
    %dma_wait3A_16 = tpu.memref_squeeze %dma_wait3A_15 : memref<1x4096xf32, #tpu.memory_space<hbm>> -> memref<4096xf32, #tpu.memory_space<hbm>>
    %dma_wait3A_17 = arith.constant 0 : i32
    %dma_wait3A_18 = tpu.memref_slice %arg4[%dma_wait3A_13, %dma_wait3A_17] : memref<832x16384xf32, #tpu.memory_space<hbm>> -> memref<1x4096xf32, #tpu.memory_space<hbm>>
    %dma_wait3A_19 = tpu.memref_squeeze %dma_wait3A_18 : memref<1x4096xf32, #tpu.memory_space<hbm>> -> memref<4096xf32, #tpu.memory_space<hbm>>
    tpu.wait_dma2 semaphore(%arg11 : memref<!tpu.dma_semaphore, #tpu.memory_space<semaphore_mem>>) src(%arg8 : memref<4096xf32, #tpu.memory_space<vmem>>) dst(%dma_wait3A_19 : memref<4096xf32, #tpu.memory_space<hbm>>)
    return
  }
}

module attributes {stable_mosaic.version = 14 : i64} {
  func.func @_combine_kernel(%arg0: i32, %arg1: memref<832x2048xf32, #tpu.memory_space<vmem>>, %arg2: memref<16x2048xf32, #tpu.memory_space<vmem>>, %arg3: memref<32x832xf32, #tpu.memory_space<vmem>>, %arg4: memref<32x16xf32, #tpu.memory_space<vmem>>, %arg5: memref<32x1xf32, #tpu.memory_space<vmem>>, %arg6: memref<32x2048xf32, #tpu.memory_space<vmem>>) attributes {dimension_semantics = [#tpu.dimension_semantics<arbitrary>], iteration_bounds = array<i64: 8>, scalar_prefetch = 0 : i64, scratch_operands = 0 : i64, tpu.core_type = #tpu.core_type<tc>, window_params = [{transform_indices = @transform_0, window_bounds = array<i64: 832, 2048>}, {transform_indices = @transform_1, window_bounds = array<i64: 16, 2048>}, {pipeline_mode = #tpu.pipeline_mode<synchronous>, transform_indices = @transform_2, window_bounds = array<i64: 32, 832>}, {pipeline_mode = #tpu.pipeline_mode<synchronous>, transform_indices = @transform_3, window_bounds = array<i64: 32, 16>}, {pipeline_mode = #tpu.pipeline_mode<synchronous>, transform_indices = @transform_4, window_bounds = array<i64: 32, 1>}, {transform_indices = @transform_5, window_bounds = array<i64: 32, 2048>}]} {
    %get3A = arith.constant 0 : index
    %get3A_0 = arith.constant 0 : index
    %get3A_1 = vector.load %arg3[%get3A, %get3A_0] : memref<32x832xf32, #tpu.memory_space<vmem>>, vector<32x832xf32>
    %get3A_2 = arith.constant 0 : index
    %get3A_3 = arith.constant 0 : index
    %get3A_4 = vector.load %arg1[%get3A_2, %get3A_3] : memref<832x2048xf32, #tpu.memory_space<vmem>>, vector<832x2048xf32>
    %dot_general3A = arith.constant dense<0.000000e+00> : vector<32x2048xf32>
    %dot_general3A_5 = tpu.matmul %get3A_1, %get3A_4, %dot_general3A {dimension_numbers = #tpu.dot_dimension_numbers<[1], [0], [0], [1], [0, 0, 1, 1], [], []>, transpose_lhs_hint = false} : vector<32x832xf32>, vector<832x2048xf32>, vector<32x2048xf32> -> vector<32x2048xf32>
    %get3A_6 = arith.constant 0 : index
    %get3A_7 = arith.constant 0 : index
    %get3A_8 = vector.load %arg4[%get3A_6, %get3A_7] : memref<32x16xf32, #tpu.memory_space<vmem>>, vector<32x16xf32>
    %get3A_9 = arith.constant 0 : index
    %get3A_10 = arith.constant 0 : index
    %get3A_11 = vector.load %arg2[%get3A_9, %get3A_10] : memref<16x2048xf32, #tpu.memory_space<vmem>>, vector<16x2048xf32>
    %dot_general3A_12 = arith.constant dense<0.000000e+00> : vector<32x2048xf32>
    %dot_general3A_13 = tpu.matmul %get3A_8, %get3A_11, %dot_general3A_12 {dimension_numbers = #tpu.dot_dimension_numbers<[1], [0], [0], [1], [0, 0, 1, 1], [], []>, transpose_lhs_hint = false} : vector<32x16xf32>, vector<16x2048xf32>, vector<32x2048xf32> -> vector<32x2048xf32>
    %add3A = arith.addf %dot_general3A_5, %dot_general3A_13 : vector<32x2048xf32>
    %get3A_14 = arith.constant 0 : index
    %get3A_15 = arith.constant 0 : index
    %get3A_16 = vector.load %arg5[%get3A_14, %get3A_15] : memref<32x1xf32, #tpu.memory_space<vmem>>, vector<32x1xf32>
    %add3A_17 = vector.broadcast %get3A_16 : vector<32x1xf32> to vector<32x2048xf32>
    %add3A_18 = arith.addf %add3A, %add3A_17 : vector<32x2048xf32>
    %ge3A = arith.constant 0.000000e+00 : f32
    %ge3A_19 = vector.broadcast %ge3A : f32 to vector<32x2048xf32>
    %ge3A_20 = arith.cmpf oge, %add3A_18, %ge3A_19 : vector<32x2048xf32>
    %mul3A = arith.constant 5.000000e-01 : f32
    %mul3A_21 = vector.broadcast %mul3A : f32 to vector<32x2048xf32>
    %mul3A_22 = arith.mulf %mul3A_21, %add3A_18 : vector<32x2048xf32>
    %select_n3A = arith.select %ge3A_20, %add3A_18, %mul3A_22 : vector<32x2048xi1>, vector<32x2048xf32>
    %swap3A = arith.constant 0 : index
    %swap3A_23 = arith.constant 0 : index
    %swap3A_24 = vector.load %arg6[%swap3A, %swap3A_23] : memref<32x2048xf32, #tpu.memory_space<vmem>>, vector<32x2048xf32>
    tpu.vector_store %arg6[%swap3A, %swap3A_23], %select_n3A {strides = array<i32>} : memref<32x2048xf32, #tpu.memory_space<vmem>>, vector<32x2048xf32>,
    return
  }
  func.func @transform_0(%arg0: i32) -> (i32, i32) {
    %c0_i32 = arith.constant 0 : i32
    %c0_i32_0 = arith.constant 0 : i32
    return %c0_i32, %arg0 : i32, i32
  }
  func.func @transform_1(%arg0: i32) -> (i32, i32) {
    %c0_i32 = arith.constant 0 : i32
    %c0_i32_0 = arith.constant 0 : i32
    return %c0_i32, %arg0 : i32, i32
  }
  func.func @transform_2(%arg0: i32) -> (i32, i32) {
    %c0_i32 = arith.constant 0 : i32
    %c0_i32_0 = arith.constant 0 : i32
    %c0_i32_1 = arith.constant 0 : i32
    return %c0_i32, %c0_i32_0 : i32, i32
  }
  func.func @transform_3(%arg0: i32) -> (i32, i32) {
    %c0_i32 = arith.constant 0 : i32
    %c0_i32_0 = arith.constant 0 : i32
    %c0_i32_1 = arith.constant 0 : i32
    return %c0_i32, %c0_i32_0 : i32, i32
  }
  func.func @transform_4(%arg0: i32) -> (i32, i32) {
    %c0_i32 = arith.constant 0 : i32
    %c0_i32_0 = arith.constant 0 : i32
    %c0_i32_1 = arith.constant 0 : i32
    return %c0_i32, %c0_i32_0 : i32, i32
  }
  func.func @transform_5(%arg0: i32) -> (i32, i32) {
    %c0_i32 = arith.constant 0 : i32
    %c0_i32_0 = arith.constant 0 : i32
    return %c0_i32, %arg0 : i32, i32
  }
}

</mosaic_0001>

<sc_bundles>
// kernel: kernel.4.cloned.1.call-start
scs
__scs_entry_jumppad:
0x0: {  	(pc) =	sbr.rel $0x88, $3  }
0x1: {  	(tag) =	ssettag $0x0;
	lr =	simm.s32 $0x1  }
0x2: {  	[smem:$0x3F9C] =	sst lr;
	_ =	strace $0xD0000000  }
0x3: {  	_ = 	snop  }
0x4: {  	_ = 	snop  }
0x5: {  	_ = 	snop  }
0x6: {  	_ = 	snop  }
0x7: {  	_ = 	snop  }
__scs_overlays_trampoline_lowered:
0x8: {  	[smem:$0x3FAB] =	sst s0  }
0x9: {  	[smem:$0x3FAC] =	sst s1  }
0xa: {  	[smem:$0x3FAD] =	sst s2  }
0xb: {  	[smem:$0x3FAE] =	sst s3  }
0xc: {  	[smem:$0x3FAF] =	sst s4  }
0xd: {  	[smem:$0x3FB0] =	sst s5  }
0xe: {  	[smem:$0x3FB1] =	sst s6  }
0xf: {  	[smem:$0x3FB2] =	sst s7  }
0x10: {  	[smem:$0x3FB3] =	sst s8  }
0x11: {  	[smem:$0x3FB4] =	sst s9;
	s0 =	simm.s32 @!p0 $0x0  }
0x12: {  	s1 =	sld [smem:$0x3F9A];
	s0 =	simm.s32 @p0 $0x1  }
0x13: {  	[smem:$0x3FB5] =	sst s0;
	s0 =	simm.s32 @!p1 $0x0  }
0x14: {  	s2 =	sld [smem:$0x3F99];
	s0 =	simm.s32 @p1 $0x1  }
0x15: {  	[smem:$0x3FB6] =	sst s0;
	s0 =	simm.s32 @!p2 $0x0  }
0x16: {  	s3 =	sld [smem:$0x3FDB];
	s0 =	simm.s32 @p2 $0x1  }
0x17: {  	s4 =	simm.s32 $0x1BF5;
	[smem:$0x3FB8] =	sst s0  }
0x18: {  	s0 =	sld [smem:$0x3F9B];
	_ =	swait.ge [sflag:s4], $0x0  }
0x19: {  	s7 =	sld [smem:$0x3F9C]  }
0x1a: {  	s8 =	sadd.s32 $0xFFFFE003, lr  }
0x1b: {  	s9 =	sadd.s32 $0xFFFFFEF7, lr;
	s5 =	simm.s32 $0xFFFFFFFF;
	p2 =	slt.u32 s8, $0xFFFFF086  }
0x1c: {  	p1 =	slt.u32 s9, $0xF7A;
	s5 =	simm.s32 @!p2 $0x0  }
0x1d: {  	s5 =	simm.s32 @p1 $0x1;
	p0 =	seq.s32 s7, s2  }
0x1e: {  	s7 =	smul.u32 @!p0 $0xF7A, s2;
	p2 =	seq.s32 @!p0 s5, $0x0  }
0x1f: {  	s9 =	smul.u32 $0xF7A, s1;
	s8 =	simm.s32 @!p0 $0x1BF5;
	p2 =	por !p2, p0  }
0x20: {  	[sflag:s8] =	ssyncset.s32 @!p0 $0xFFFFF086;
	s6 =	sadd.s32 @!p0 s3, s7;
	s7 =	simm.s32 @!p0 $0x108  }
0x21: {  	s3 =	sadd.s32 s3, s9;
	s6 =	sadd.s32 @!p0 $0x88, s6;
	s7 =	simm.s32 @p2 $0x1082  }
0x22: {  	[simem:s7], [sflag:s8] =	dma.local @!p0 [hbm:s6], $0xF7A  }
0x23: {  	s9 =	sor.u32 $0xD0000000, s2;
	s6 =	simm.s32 $0x108;
	_ =	swait.ge @!p0 [sflag:s8], $0x0  }
0x24: {  	s3 =	sadd.s32 $0x88, s3;
	s6 =	simm.s32 @!p1 $0x1082;
	[sflag:s4] =	ssyncset.s32 $0xFFFFF086  }
0x25: {  	[simem:s6], [sflag:s4] =	dma.local [hbm:s3], $0xF7A  }
0x26: {  	[smem:$0x3F9C] =	sst s1;
	(tag) =	ssettag s2;
	_ =	strace s9  }
0x27: {  	s1 =	sld [smem:$0x3FAC]  }
0x28: {  	s2 =	sld [smem:$0x3FAD]  }
0x29: {  	s4 =	sld [smem:$0x3FAF]  }
0x2a: {  	p0 =	seq.s32 s5, $0x0;
	s5 =	sld [smem:$0x3FB0]  }
0x2b: {  	s6 =	sld [smem:$0x3FB1]  }
0x2c: {  	s7 =	sld [smem:$0x3FB2]  }
0x2d: {  	s3 =	simm.s32 $0x108;
	s8 =	sld [smem:$0x3FB3]  }
0x2e: {  	s3 =	simm.s32 @!p0 $0x1082;
	s9 =	sld [smem:$0x3FB4]  }
0x2f: {  	lr =	sadd.s32 s0, s3;
	s0 =	sld [smem:$0x3FAB]  }
0x30: {  	s3 =	sld [smem:$0x3FAE]  }
0x31: {  	[smem:$0x3FB7] =	sst s10  }
0x32: {  	s10 =	sld [smem:$0x3FB5];
	_ =	sdelay $0x3  }
0x33: {  	p0 =	seq.s32 s10, $0x1;
	s10 =	sld [smem:$0x3FB7];
	_ =	sdelay $0x3  }
0x34: {  	[smem:$0x3FB7] =	sst s10  }
0x35: {  	s10 =	sld [smem:$0x3FB6];
	_ =	sdelay $0x3  }
0x36: {  	p1 =	seq.s32 s10, $0x1;
	s10 =	sld [smem:$0x3FB7];
	_ =	sdelay $0x3  }
0x37: {  	[smem:$0x3FB7] =	sst s10  }
0x38: {  	s10 =	sld [smem:$0x3FB8]  }
0x39: {  	_ = 	snop;
	(pc) =	sbr.ind lr, $3  }
0x3a: {  	_ = 	snop  }
0x3b: {  	_ = 	snop  }
0x3c: {  	p2 =	seq.s32 s10, $0x1;
	s10 =	sld [smem:$0x3FB7]  }
0x3d: {  	_ =	shalt  }
0x3e: {  	_ =	shalt  }
0x3f: {  	_ =	shalt  }
0x40: {  	_ =	shalt  }
0x41: {  	_ =	shalt  }
0x42: {  	_ =	shalt  }
0x43: {  	_ =	shalt  }
0x44: {  	_ =	shalt  }
0x45: {  	_ =	shalt  }
0x46: {  	_ =	shalt  }
0x47: {  	_ =	shalt  }
0x48: {  	_ =	shalt  }
0x49: {  	_ =	shalt  }
0x4a: {  	_ =	shalt  }
0x4b: {  	_ =	shalt  }
0x4c: {  	_ =	shalt  }
0x4d: {  	_ =	shalt  }
0x4e: {  	_ =	shalt  }
0x4f: {  	_ =	shalt  }
0x50: {  	_ =	shalt  }
0x51: {  	_ =	shalt  }
0x52: {  	_ =	shalt  }
0x53: {  	_ =	shalt  }
0x54: {  	_ =	shalt  }
0x55: {  	_ =	shalt  }
0x56: {  	_ =	shalt  }
0x57: {  	_ =	shalt  }
0x58: {  	_ =	shalt  }
0x59: {  	_ =	shalt  }
0x5a: {  	_ =	shalt  }
0x5b: {  	_ =	shalt  }
0x5c: {  	_ =	shalt  }
0x5d: {  	_ =	shalt  }
0x5e: {  	_ =	shalt  }
0x5f: {  	_ =	shalt  }
0x60: {  	_ =	shalt  }
0x61: {  	_ =	shalt  }
0x62: {  	_ =	shalt  }
0x63: {  	_ =	shalt  }
0x64: {  	_ =	shalt  }
0x65: {  	_ =	shalt  }
0x66: {  	_ =	shalt  }
0x67: {  	_ =	shalt  }
0x68: {  	_ =	shalt  }
0x69: {  	_ =	shalt  }
0x6a: {  	_ =	shalt  }
0x6b: {  	_ =	shalt  }
0x6c: {  	_ =	shalt  }
0x6d: {  	_ =	shalt  }
0x6e: {  	_ =	shalt  }
0x6f: {  	_ =	shalt  }
0x70: {  	_ =	shalt  }
0x71: {  	_ =	shalt  }
0x72: {  	_ =	shalt  }
0x73: {  	_ =	shalt  }
0x74: {  	_ =	shalt  }
0x75: {  	_ =	shalt  }
0x76: {  	_ =	shalt  }
0x77: {  	_ =	shalt  }
0x78: {  	_ =	shalt  }
0x79: {  	_ =	shalt  }
0x7a: {  	_ =	shalt  }
0x7b: {  	_ =	shalt  }
0x7c: {  	_ =	shalt  }
0x7d: {  	_ =	shalt  }
0x7e: {  	_ =	shalt  }
0x7f: {  	_ =	shalt  }
0x80: {  	_ =	shalt  }
0x81: {  	_ =	shalt  }
0x82: {  	_ =	shalt  }
0x83: {  	_ =	shalt  }
0x84: {  	_ =	shalt  }
0x85: {  	_ =	shalt  }
0x86: {  	_ =	shalt  }
0x87: {  	_ =	shalt  }
.Lfunc_end0:
.L_simem_size_0:
called_computation_lowered:
.L_overlay_start_0:
0x88: {  	s2 =	sld [smem:$0x3FD9]  }
0x89: {  	s3 =	sld [smem:$0x3FFE];
	_ =	sdelay $0x1  }
0x8a: {  	s1 =	srdreg.scid  }
0x8b: {  	s0 =	sand.u32 $0x1, s1  }
0x8c: {  	s17 =	sshll.u32 s0, $0xA;
	s2 =	sadd.s32 s3, s2  }
0x8d: {  	s2 =	sadd.s32 s2, s17  }
0x8e: {  	[smem:$0x3FC3] =	sst s2  }
0x8f: {  	_ = 	snop  }
0x90: {  	s2 =	sld [smem:$0x3FC9]  }
0x91: {  	s18 =	sld [smem:$0x3FC7];
	(tm) =	ssettm $0x1  }
0x92: {  	s4 =	sld [smem:$0x3FFB];
	_ =	sdelay $0x3  }
0x93: {  	_ =	strace s4  }
0x94: {  	s4 =	sld [smem:$0x3FFC];
	_ =	sdelay $0x3  }
0x95: {  	_ =	strace s4  }
0x96: {  	s4 =	sld [smem:$0x3FFD];
	_ =	sdelay $0x3  }
0x97: {  	_ =	strace s4  }
0x98: {  	_ =	strace $0x8FFFFFFF  }
0x99: {  	s19 =	sld [smem:$0x3FDB];
	_ =	sdelay $0x1  }
0x9a: {  	s5 =	simm.s32 $_scs_section_size  }
0x9b: {  	s6 =	simm.s32 $_size__tile_overlayer_lowered;
	s7 =	simm.s32 $_tile_overlayer_lowered  }
0x9c: {  	s22 =	simm.s32 $0x1BFF;
	s21 =	sshll.u32 s7, $0x1;
	s4 =	sadd.s32 s5, s19  }
0x9d: {  	s8 =	simm.s32 $0x0;
	s20 =	sshll.u32 s6, $0x1;
	s6 =	sadd.s32 s21, s4  }
0x9e: {  	[timem:s8], [sflag:s22] =	dma.local [hbm:s6], s20  }
0x9f: {  	_ =	swait.ge [sflag:s22], s20  }
0xa0: {  	s5 =	ssub.s32 $0x0, s20;
	[sflag:s22] =	ssyncset.done $0x0  }
0xa1: {  	[sflag:s22] =	ssyncadd.s32 s5;
	_ =	sdelay $0x1  }
0xa2: {  	s23 =	simm.s32 $0x1B8B  }
0xa3: {  	_ =	swait.ge [sflag:s23], $0x1  }
0xa4: {  	[sflag:s23] =	ssyncset.done $0x0  }
0xa5: {  	s25 =	simm.s32 $0x1B8E;
	s24 =	sld [smem:$0x3FFE];
	[sflag:s23] =	ssyncadd.s32 $0xFFFFFFFF  }
0xa6: {  	s26 =	simm.s32 $execute0_lowered;
	[smem:$0x3FD2] =	sst s25  }
0xa7: {  	s6 =	sshll.u32 s26, $0x1;
	_ =	strace $0x80000046;
	[dreg:$0x1] =	wrdreg $0xFFFFFFFF  }
0xa8: {  	s28 =	simm.s32 $_size_execute0_lowered;
	s4 =	sadd.s32 s4, s6;
	[dreg:$0x0] =	wrdreg $0x0  }
0xa9: {  	s6 =	sshll.u32 s28, $0x1;
	[dreg:$0x2] =	wrdreg s4  }
0xaa: {  	[dreg:$0x3] =	wrdreg s6  }
0xab: {  	[dreg:$0x4] =	wrdreg $0xC0  }
0xac: {  	_ =	task [dreg:s8], $0x5FFFF  }
0xad: {  	[dreg:$0x1] =	wrdreg $0xFFFFFFFF  }
0xae: {  	[dreg:$0x0] =	wrdreg $0x60  }
0xaf: {  	[dreg:$0x2] =	wrdreg s18  }
0xb0: {  	[dreg:$0x3] =	wrdreg s2  }
0xb1: {  	[dreg:$0x4] =	wrdreg s24  }
0xb2: {  	[dreg:$0x5] =	wrdreg $0x9  }
0xb3: {  	_ =	task.clear_ibuf [dreg:s8], $0x6FFFF;
	_ =	strace $0x90000046  }
0xb4: {  	s29 =	simm.s32 $0x9;
	_ =	strace $0x80000048  }
0xb5: {  	_ =	swait.ge [sflag:s29], $0x1  }
0xb6: {  	[sflag:s29] =	ssyncadd.s32 $0xFFFFFFFF  }
0xb7: {  	_ =	strace $0x90000048  }
0xb8: {  	_ =	sfence  }
0xb9: {  	s30 =	sld [smem:$0x0];
	_ =	sdelay $0x2  }
0xba: {  	s31 =	sshll.u32 s1, $0xD;
	s1 =	sshrl.u32 s1, $0x2  }
0xbb: {  	s3 =	sand.u32 $0x4000, s31;
	s1 =	sadd.s32 s1, s30  }
0xbc: {  	s0 =	sor.u32 s3, s0;
	s1 =	sshll.u32 s1, $0x11  }
0xbd: {  	s0 =	sor.u32 s1, s0  }
0xbe: {  	s0 =	sadd.s32 $0x8F2B, s0  }
0xbf: {  	[sflag:s0] =	ssyncadd.remote.s32 $0x1  }
0xc0: {  	_ =	sfence.sel $0xFFFF  }
0xc1: {  	[dreg:$0x0] =	wrdreg $0xFFFFFFFF;
	(pc) =	sbr.abs _section_cstart, $3  }
0xc2: {  	[dreg:$0x1] =	wrdreg $0xFFFFFFFF  }
0xc3: {  	_ =	task.clear_ibuf [dreg:s8], $0x2FFFF;
	_ =	strace $0x9FFFFFFF  }
0xc4: {  	(tm) =	ssettm $0x7FFFFFFF  }
0xc5: {  	_ =	shalt  }
tec
execute0_lowered:
.L_overlay_start_1:
0x0: {  	(tag) =	ssettag $0x1  }
0x1: {  	s1 =	rddreg [dreg:$0x0]  }
0x2: {  	s2 =	rddreg [dreg:$0x1]  }
0x3: {  	s9 =	rddreg [dreg:$0x2]  }
0x4: {  	s0 =	rddreg [dreg:$0x3];
	s5 =	srdreg.scid  }
0x5: {  	s4 =	simm.s32 $0x0;
	s3 =	stileid.u32;
	s11 =	simm.s32 $0x80  }
0x6: {  	s12 =	simm.s32 $0x400;
	s13 =	simm.s32 $0x1;
	s14 =	simm.s32 $0x1C700  }
0x7: {  	s15 =	simm.s32 $0x1D700;
	s16 =	simm.s32 $0x2;
	s17 =	simm.s32 $0x3  }
0x8: {  	s18 =	simm.s32 $0x0;
	s5 =	sand.u32 $0x1, s5;
	[smem:$0x7FF] =	sst s4  }
0x9: {  	s7 =	sshll.u32 s3, $0x1;
	s6 =	ssub.s32 $0x2, s5;
	_ =	strace $0x80000047  }
0xa: {  	s7 =	sor.u32 s5, s7;
	s5 =	sadd.s32 $0xA00, s9;
	s8 =	sshrl.u32 s6, $0x1  }
0xb: {  	s10 =	ssub.s32 s6, s8;
	s6 =	smul.u32 $0x1A, s7;
	s7 =	sadd.s32 $0x1A00, s9  }
0xc: {  	s8 =	sadd.s32 $0x2A00, s9;
	s9 =	sadd.s32 $0x3A00, s9;
	s10 =	smax.u32 s10, $0x1  }
.LBB2_1:
0xd: {  	s20 =	simm.s32 $0xFFFFFFFF;
	s19 =	simm.s32 $0x0  }
.LBB2_2:
0xe: {  	s21 =	sadd.s32 s6, s19  }
0xf: {  	s23 =	smov.u32 s20;
	s20 =	sshrl.u32 s21, $0x5;
	s22 =	sshrl.u32 s21, $0x3  }
0x10: {  	s24 =	smul.u32 $0x30E000, s20;
	s22 =	sand.u32 $0x3, s22  }
0x11: {  	s22 =	smul.u32 $0xC3800, s22  }
0x12: {  	s25 =	sshll.u32 s21, $0x7  }
0x13: {  	s24 =	sadd.s32 s24, s22;
	s22 =	sand.u32 $0x380, s25  }
0x14: {  	s24 =	sor.u32 s22, s24  }
0x15: {  	p0 =	seq.s32 s20, s23;
	s24 =	sshrl.u32 s24, $0x3  }
0x16: {  	s23 =	sshll.u32 @!p0 s20, $0x4;
	s24 =	sadd.s32 s1, s24  }
0x17: {  	[tilespmem:s4], [sflag:$0x1] =	stream.strided.gather [hbm4b:s24+s11], $0x18700, s12, s11, $0x38;
	[tilespmem:$0x1E700] =	vst v63  }
0x18: {  	s23 =	sand.u32 @!p0 $0x70, s23;
	s24 =	sshll.u32 @!p0 s20, $0xB  }
0x19: {  	s26 =	simm.s32 @!p0 $0x18700;
	s23 =	sadd.s32 @!p0 s2, s23;
	s24 =	sand.u32 @!p0 $0xFFFC000, s24  }
0x1a: {  	s25 =	simm.s32 @!p0 $0x400;
	s23 =	sadd.s32 @!p0 s24, s23;
	s24 =	simm.s32 @!p0 $0x80  }
0x1b: {  	[tilespmem:s26], [sflag:$0x4] =	stream.strided.gather @!p0 [hbm4b:s23+s24], $0x4000, s25, s24, $0x38;
	[tilespmem:$0x1E700] =	vst v63  }
0x1c: {  	s23 =	simm.s32 @!p0 $0x4  }
0x1d: {  	_ =	swait.ge @!p0 [sflag:s23], $0x4000  }
0x1e: {  	[sflag:s23] =	ssyncset.done @!p0 $0x0  }
0x1f: {  	[sflag:s23] =	ssyncadd.s32 @!p0 $0xFFFFC000  }
0x20: {  	_ =	swait.ge [sflag:s13], $0x18700  }
0x21: {  	p0 =	seq.s32 s19, $0x0;
	[sflag:s13] =	ssyncset.done $0x0  }
0x22: {  	s23 =	simm.s32 @!p0 $0x2;
	[sflag:s13] =	ssyncadd.s32 $0xFFFE7900  }
0x23: {  	_ =	swait.ge @!p0 [sflag:s23], $0x1000  }
0x24: {  	[sflag:s23] =	ssyncset.done @!p0 $0x0  }
0x25: {  	[sflag:s23] =	ssyncadd.s32 @!p0 $0xFFFFF000;
	s23 =	simm.s32 $0x18780  }
0x26: {  	v0 =	vld [tilespmem:s23+$0xFFFFFFE0]  }
0x27: {  	v1 =	vld [tilespmem:s23+$0xFFFFFFF0]  }
0x28: {  	v2 =	vld [tilespmem:s23+$0xFFFFFF80]  }
0x29: {  	v3 =	vld [tilespmem:s23+$0xFFFFFFA0]  }
0x2a: {  	v4 =	vld [tilespmem:s23+$0xFFFFFFD0]  }
0x2b: {  	v5 =	vld [tilespmem:s23+$0xFFFFFFB0]  }
0x2c: {  	v6 =	vld [tilespmem:s23+$0xFFFFFFC0]  }
0x2d: {  	v7 =	vld [tilespmem:s23+$0xFFFFFF90]  }
0x2e: {  	v0 =	vld.idx.msk [tilespmem:v0+s4+$0x0], $0xffff  }
0x2f: {  	v1 =	vld.idx.msk [tilespmem:v1+s4+$0x0], $0xffff  }
0x30: {  	v2 =	vld.idx.msk [tilespmem:v2+s4+$0x0], $0xffff  }
0x31: {  	v3 =	vld.idx.msk [tilespmem:v3+s4+$0x0], $0xffff  }
0x32: {  	v4 =	vld.idx.msk [tilespmem:v4+s4+$0x0], $0xffff  }
0x33: {  	v5 =	vld.idx.msk [tilespmem:v5+s4+$0x0], $0xffff  }
0x34: {  	s24 =	simm.s32 $0x1C780;
	v6 =	vld.idx.msk [tilespmem:v6+s4+$0x0], $0xffff  }
0x35: {  	v7 =	vld.idx.msk [tilespmem:v7+s4+$0x0], $0xffff;
	[tilespmem:s24+$0xFFFFFFF0] =	vst v1  }
0x36: {  	[tilespmem:s24+$0xFFFFFF80] =	vst v2  }
0x37: {  	[tilespmem:s24+$0xFFFFFFA0] =	vst v3  }
0x38: {  	[tilespmem:s24+$0xFFFFFFD0] =	vst v4  }
0x39: {  	[tilespmem:s24+$0xFFFFFFC0] =	vst v6  }
0x3a: {  	[tilespmem:s24+$0xFFFFFFB0] =	vst v5  }
0x3b: {  	[tilespmem:s24+$0xFFFFFF90] =	vst v7  }
0x3c: {  	[tilespmem:s24+$0xFFFFFFE0] =	vst v0  }
0x3d: {  	v0 =	vld [tilespmem:s23+$0x70]  }
0x3e: {  	v6 =	vld [tilespmem:s23+$0x10]  }
0x3f: {  	v7 =	vld [tilespmem:s23+$0x20]  }
0x40: {  	v8 =	vld [tilespmem:s23+$0x60]  }
0x41: {  	v5 =	vld [tilespmem:s23+$0x40]  }
0x42: {  	v2 =	vld [tilespmem:s23+$0x50]  }
0x43: {  	v3 =	vld [tilespmem:s23+$0x0]  }
0x44: {  	v4 =	vld [tilespmem:s23+$0x30]  }
0x45: {  	v1 =	vld.idx.msk [tilespmem:v0+s4+$0x0], $0xffff  }
0x46: {  	v0 =	vld.idx.msk [tilespmem:v6+s4+$0x0], $0xffff  }
0x47: {  	v7 =	vld.idx.msk [tilespmem:v7+s4+$0x0], $0xffff  }
0x48: {  	s26 =	simm.s32 $0x0;
	s25 =	simm.s32 $0x1C780;
	v6 =	vld.idx.msk [tilespmem:v8+s4+$0x0], $0xffff  }
.LBB2_3:
0x49: {  	s26 =	sadd.s32 $0x2, s26;
	v5 =	vld.idx.msk [tilespmem:v5+s4+$0x0], $0xffff;
	s24 =	sadd.s32 $0x100, s24;
	s23 =	sadd.s32 $0x100, s23  }
0x4a: {  	p1 =	slt.u32 s26, $0x1E;
	v2 =	vld.idx.msk [tilespmem:v2+s4+$0x0], $0xffff  }
0x4b: {  	v3 =	vld.idx.msk [tilespmem:v3+s4+$0x0], $0xffff  }
0x4c: {  	v4 =	vld.idx.msk [tilespmem:v4+s4+$0x0], $0xffff  }
0x4d: {  	[tilespmem:s25+$0x20] =	vst v7  }
0x4e: {  	[tilespmem:s25+$0x70] =	vst v1  }
0x4f: {  	[tilespmem:s25+$0x60] =	vst v6  }
0x50: {  	[tilespmem:s25+$0x50] =	vst v2  }
0x51: {  	[tilespmem:s25+$0x0] =	vst v3  }
0x52: {  	[tilespmem:s25+$0x40] =	vst v5  }
0x53: {  	[tilespmem:s25+$0x30] =	vst v4  }
0x54: {  	[tilespmem:s25+$0x10] =	vst v0;
	s25 =	smov.u32 s24  }
0x55: {  	v0 =	vld [tilespmem:s23+$0xFFFFFFE0]  }
0x56: {  	v1 =	vld [tilespmem:s23+$0xFFFFFFF0]  }
0x57: {  	v2 =	vld [tilespmem:s23+$0xFFFFFF80]  }
0x58: {  	v3 =	vld [tilespmem:s23+$0xFFFFFFA0]  }
0x59: {  	v4 =	vld [tilespmem:s23+$0xFFFFFFD0]  }
0x5a: {  	v5 =	vld [tilespmem:s23+$0xFFFFFFB0]  }
0x5b: {  	v6 =	vld [tilespmem:s23+$0xFFFFFFC0]  }
0x5c: {  	v7 =	vld [tilespmem:s23+$0xFFFFFF90]  }
0x5d: {  	v0 =	vld.idx.msk [tilespmem:v0+s4+$0x0], $0xffff  }
0x5e: {  	v1 =	vld.idx.msk [tilespmem:v1+s4+$0x0], $0xffff  }
0x5f: {  	v2 =	vld.idx.msk [tilespmem:v2+s4+$0x0], $0xffff  }
0x60: {  	v3 =	vld.idx.msk [tilespmem:v3+s4+$0x0], $0xffff  }
0x61: {  	v4 =	vld.idx.msk [tilespmem:v4+s4+$0x0], $0xffff  }
0x62: {  	v5 =	vld.idx.msk [tilespmem:v5+s4+$0x0], $0xffff  }
0x63: {  	v6 =	vld.idx.msk [tilespmem:v6+s4+$0x0], $0xffff  }
0x64: {  	v7 =	vld.idx.msk [tilespmem:v7+s4+$0x0], $0xffff  }
0x65: {  	[tilespmem:s24+$0xFFFFFFF0] =	vst v1  }
0x66: {  	[tilespmem:s24+$0xFFFFFF80] =	vst v2  }
0x67: {  	[tilespmem:s24+$0xFFFFFFA0] =	vst v3  }
0x68: {  	[tilespmem:s24+$0xFFFFFFD0] =	vst v4  }
0x69: {  	[tilespmem:s24+$0xFFFFFFC0] =	vst v6  }
0x6a: {  	[tilespmem:s24+$0xFFFFFFB0] =	vst v5  }
0x6b: {  	[tilespmem:s24+$0xFFFFFF90] =	vst v7  }
0x6c: {  	[tilespmem:s24+$0xFFFFFFE0] =	vst v0  }
0x6d: {  	v0 =	vld [tilespmem:s23+$0x70]  }
0x6e: {  	v6 =	vld [tilespmem:s23+$0x10]  }
0x6f: {  	v7 =	vld [tilespmem:s23+$0x20]  }
0x70: {  	v8 =	vld [tilespmem:s23+$0x60]  }
0x71: {  	v5 =	vld [tilespmem:s23+$0x40]  }
0x72: {  	v2 =	vld [tilespmem:s23+$0x50]  }
0x73: {  	v3 =	vld [tilespmem:s23+$0x0]  }
.Ltmp0:
0x74: {  	v4 =	vld [tilespmem:s23+$0x30];
	(pc) =	sbr.rel @p1 .LBB2_3-.Ltmp0, $4  }
0x75: {  	v1 =	vld.idx.msk [tilespmem:v0+s4+$0x0], $0xffff  }
0x76: {  	v0 =	vld.idx.msk [tilespmem:v6+s4+$0x0], $0xffff  }
0x77: {  	v7 =	vld.idx.msk [tilespmem:v7+s4+$0x0], $0xffff  }
0x78: {  	v6 =	vld.idx.msk [tilespmem:v8+s4+$0x0], $0xffff  }
0x79: {  	_ =	sdelay $0x3  }
0x7a: {  	v5 =	vld.idx.msk [tilespmem:v5+s4+$0x0], $0xffff  }
0x7b: {  	v2 =	vld.idx.msk [tilespmem:v2+s4+$0x0], $0xffff  }
0x7c: {  	v3 =	vld.idx.msk [tilespmem:v3+s4+$0x0], $0xffff  }
0x7d: {  	v4 =	vld.idx.msk [tilespmem:v4+s4+$0x0], $0xffff;
	[tilespmem:s25+$0x70] =	vst v1  }
0x7e: {  	[tilespmem:s25+$0x10] =	vst v0  }
0x7f: {  	[tilespmem:s25+$0x20] =	vst v7  }
0x80: {  	s21 =	sshll.u32 s21, $0xE;
	[tilespmem:s25+$0x60] =	vst v6  }
0x81: {  	s21 =	sand.u32 $0x7FFE0000, s21;
	[tilespmem:s25+$0x50] =	vst v2  }
0x82: {  	s21 =	sor.u32 s22, s21;
	[tilespmem:s25+$0x0] =	vst v3  }
0x83: {  	s21 =	sshrl.u32 s21, $0x3;
	[tilespmem:s25+$0x40] =	vst v5  }
0x84: {  	s22 =	simm.s32 @!p0 $0x3;
	s31 =	sadd.s32 s5, s21;
	[tilespmem:s25+$0x30] =	vst v4  }
0x85: {  	[hbm4b:s31+s11] =	stream.strided.scatter [tilespmem:s14], [sflag:$0x2], $0x1000, s12, s11, $0x38;
	[tilespmem:$0x1E700] =	vst v63  }
0x86: {  	_ =	swait.ge @!p0 [sflag:s22], $0x1000  }
0x87: {  	[sflag:s22] =	ssyncset.done @!p0 $0x0  }
0x88: {  	[sflag:s22] =	ssyncadd.s32 @!p0 $0xFFFFF000;
	s22 =	simm.s32 $0x197F0  }
0x89: {  	v0 =	vld [tilespmem:s22+$0xFFFFFF70]  }
0x8a: {  	v1 =	vld [tilespmem:s22+$0xFFFFFF80]  }
0x8b: {  	v2 =	vld [tilespmem:s22+$0xFFFFFF10]  }
0x8c: {  	v3 =	vld [tilespmem:s22+$0xFFFFFF30]  }
0x8d: {  	v4 =	vld [tilespmem:s22+$0xFFFFFF60]  }
0x8e: {  	v5 =	vld [tilespmem:s22+$0xFFFFFF40]  }
0x8f: {  	v6 =	vld [tilespmem:s22+$0xFFFFFF50]  }
0x90: {  	v7 =	vld [tilespmem:s22+$0xFFFFFF20]  }
0x91: {  	v0 =	vld.idx.msk [tilespmem:v0+s4+$0x0], $0xffff  }
0x92: {  	v1 =	vld.idx.msk [tilespmem:v1+s4+$0x0], $0xffff  }
0x93: {  	v2 =	vld.idx.msk [tilespmem:v2+s4+$0x0], $0xffff  }
0x94: {  	v3 =	vld.idx.msk [tilespmem:v3+s4+$0x0], $0xffff  }
0x95: {  	v4 =	vld.idx.msk [tilespmem:v4+s4+$0x0], $0xffff  }
0x96: {  	v5 =	vld.idx.msk [tilespmem:v5+s4+$0x0], $0xffff  }
0x97: {  	s23 =	simm.s32 $0x1D780;
	v6 =	vld.idx.msk [tilespmem:v6+s4+$0x0], $0xffff  }
0x98: {  	v7 =	vld.idx.msk [tilespmem:v7+s4+$0x0], $0xffff;
	[tilespmem:s23+$0xFFFFFFF0] =	vst v1  }
0x99: {  	[tilespmem:s23+$0xFFFFFF80] =	vst v2  }
0x9a: {  	[tilespmem:s23+$0xFFFFFFA0] =	vst v3  }
0x9b: {  	[tilespmem:s23+$0xFFFFFFD0] =	vst v4  }
0x9c: {  	[tilespmem:s23+$0xFFFFFFC0] =	vst v6  }
0x9d: {  	[tilespmem:s23+$0xFFFFFFB0] =	vst v5  }
0x9e: {  	[tilespmem:s23+$0xFFFFFF90] =	vst v7  }
0x9f: {  	[tilespmem:s23+$0xFFFFFFE0] =	vst v0  }
0xa0: {  	v0 =	vld [tilespmem:s22+$0x0]  }
0xa1: {  	v6 =	vld [tilespmem:s22+$0xFFFFFFA0]  }
0xa2: {  	v7 =	vld [tilespmem:s22+$0xFFFFFFB0]  }
0xa3: {  	v8 =	vld [tilespmem:s22+$0xFFFFFFF0]  }
0xa4: {  	v5 =	vld [tilespmem:s22+$0xFFFFFFD0]  }
0xa5: {  	v2 =	vld [tilespmem:s22+$0xFFFFFFE0]  }
0xa6: {  	v3 =	vld [tilespmem:s22+$0xFFFFFF90]  }
0xa7: {  	v4 =	vld [tilespmem:s22+$0xFFFFFFC0]  }
0xa8: {  	v1 =	vld.idx.msk [tilespmem:v0+s4+$0x0], $0xffff  }
0xa9: {  	v0 =	vld.idx.msk [tilespmem:v6+s4+$0x0], $0xffff  }
0xaa: {  	v7 =	vld.idx.msk [tilespmem:v7+s4+$0x0], $0xffff  }
0xab: {  	s24 =	simm.s32 $0x1D780;
	s25 =	simm.s32 $0x0;
	v6 =	vld.idx.msk [tilespmem:v8+s4+$0x0], $0xffff  }
.LBB2_5:
0xac: {  	s25 =	sadd.s32 $0x2, s25;
	v5 =	vld.idx.msk [tilespmem:v5+s4+$0x0], $0xffff;
	s22 =	sadd.s32 $0x100, s22;
	s23 =	sadd.s32 $0x100, s23  }
0xad: {  	p0 =	slt.u32 s25, $0x1E;
	v2 =	vld.idx.msk [tilespmem:v2+s4+$0x0], $0xffff  }
0xae: {  	v3 =	vld.idx.msk [tilespmem:v3+s4+$0x0], $0xffff  }
0xaf: {  	v4 =	vld.idx.msk [tilespmem:v4+s4+$0x0], $0xffff  }
0xb0: {  	[tilespmem:s24+$0x20] =	vst v7  }
0xb1: {  	[tilespmem:s24+$0x70] =	vst v1  }
0xb2: {  	[tilespmem:s24+$0x60] =	vst v6  }
0xb3: {  	[tilespmem:s24+$0x50] =	vst v2  }
0xb4: {  	[tilespmem:s24+$0x0] =	vst v3  }
0xb5: {  	[tilespmem:s24+$0x40] =	vst v5  }
0xb6: {  	[tilespmem:s24+$0x30] =	vst v4  }
0xb7: {  	[tilespmem:s24+$0x10] =	vst v0;
	s24 =	smov.u32 s23  }
0xb8: {  	v0 =	vld [tilespmem:s22+$0xFFFFFF70]  }
0xb9: {  	v1 =	vld [tilespmem:s22+$0xFFFFFF80]  }
0xba: {  	v2 =	vld [tilespmem:s22+$0xFFFFFF10]  }
0xbb: {  	v3 =	vld [tilespmem:s22+$0xFFFFFF30]  }
0xbc: {  	v4 =	vld [tilespmem:s22+$0xFFFFFF60]  }
0xbd: {  	v5 =	vld [tilespmem:s22+$0xFFFFFF40]  }
0xbe: {  	v6 =	vld [tilespmem:s22+$0xFFFFFF50]  }
0xbf: {  	v7 =	vld [tilespmem:s22+$0xFFFFFF20]  }
0xc0: {  	v0 =	vld.idx.msk [tilespmem:v0+s4+$0x0], $0xffff  }
0xc1: {  	v1 =	vld.idx.msk [tilespmem:v1+s4+$0x0], $0xffff  }
0xc2: {  	v2 =	vld.idx.msk [tilespmem:v2+s4+$0x0], $0xffff  }
0xc3: {  	v3 =	vld.idx.msk [tilespmem:v3+s4+$0x0], $0xffff  }
0xc4: {  	v4 =	vld.idx.msk [tilespmem:v4+s4+$0x0], $0xffff  }
0xc5: {  	v5 =	vld.idx.msk [tilespmem:v5+s4+$0x0], $0xffff  }
0xc6: {  	v6 =	vld.idx.msk [tilespmem:v6+s4+$0x0], $0xffff  }
0xc7: {  	v7 =	vld.idx.msk [tilespmem:v7+s4+$0x0], $0xffff  }
0xc8: {  	[tilespmem:s23+$0xFFFFFFF0] =	vst v1  }
0xc9: {  	[tilespmem:s23+$0xFFFFFF80] =	vst v2  }
0xca: {  	[tilespmem:s23+$0xFFFFFFA0] =	vst v3  }
0xcb: {  	[tilespmem:s23+$0xFFFFFFD0] =	vst v4  }
0xcc: {  	[tilespmem:s23+$0xFFFFFFC0] =	vst v6  }
0xcd: {  	[tilespmem:s23+$0xFFFFFFB0] =	vst v5  }
0xce: {  	[tilespmem:s23+$0xFFFFFF90] =	vst v7  }
0xcf: {  	[tilespmem:s23+$0xFFFFFFE0] =	vst v0  }
0xd0: {  	v0 =	vld [tilespmem:s22+$0x0]  }
0xd1: {  	v6 =	vld [tilespmem:s22+$0xFFFFFFA0]  }
0xd2: {  	v7 =	vld [tilespmem:s22+$0xFFFFFFB0]  }
0xd3: {  	v8 =	vld [tilespmem:s22+$0xFFFFFFF0]  }
0xd4: {  	v5 =	vld [tilespmem:s22+$0xFFFFFFD0]  }
0xd5: {  	v2 =	vld [tilespmem:s22+$0xFFFFFFE0]  }
0xd6: {  	v3 =	vld [tilespmem:s22+$0xFFFFFF90]  }
.Ltmp1:
0xd7: {  	v4 =	vld [tilespmem:s22+$0xFFFFFFC0];
	(pc) =	sbr.rel @p0 .LBB2_5-.Ltmp1, $4  }
0xd8: {  	v1 =	vld.idx.msk [tilespmem:v0+s4+$0x0], $0xffff  }
0xd9: {  	v0 =	vld.idx.msk [tilespmem:v6+s4+$0x0], $0xffff  }
0xda: {  	v7 =	vld.idx.msk [tilespmem:v7+s4+$0x0], $0xffff  }
0xdb: {  	v6 =	vld.idx.msk [tilespmem:v8+s4+$0x0], $0xffff  }
0xdc: {  	_ =	sdelay $0x3  }
0xdd: {  	v5 =	vld.idx.msk [tilespmem:v5+s4+$0x0], $0xffff  }
0xde: {  	v2 =	vld.idx.msk [tilespmem:v2+s4+$0x0], $0xffff  }
0xdf: {  	v3 =	vld.idx.msk [tilespmem:v3+s4+$0x0], $0xffff  }
0xe0: {  	v4 =	vld.idx.msk [tilespmem:v4+s4+$0x0], $0xffff;
	[tilespmem:s24+$0x70] =	vst v1  }
0xe1: {  	[tilespmem:s24+$0x10] =	vst v0  }
0xe2: {  	[tilespmem:s24+$0x20] =	vst v7  }
0xe3: {  	[tilespmem:s24+$0x60] =	vst v6  }
0xe4: {  	[tilespmem:s24+$0x50] =	vst v2  }
0xe5: {  	[tilespmem:s24+$0x0] =	vst v3  }
0xe6: {  	[tilespmem:s24+$0x40] =	vst v5  }
0xe7: {  	s22 =	sadd.s32 s21, s7;
	[tilespmem:s24+$0x30] =	vst v4  }
0xe8: {  	[hbm4b:s22+s11] =	stream.strided.scatter [tilespmem:s15], [sflag:$0x3], $0x1000, s12, s11, $0x38;
	[tilespmem:$0x1E700] =	vst v63  }
0xe9: {  	_ =	swait.ge [sflag:s16], $0x1000  }
0xea: {  	[sflag:s16] =	ssyncset.done $0x0  }
0xeb: {  	s22 =	simm.s32 $0x1A7F0;
	[sflag:s16] =	ssyncadd.s32 $0xFFFFF000  }
0xec: {  	v0 =	vld [tilespmem:s22+$0xFFFFFF70]  }
0xed: {  	v1 =	vld [tilespmem:s22+$0xFFFFFF80]  }
0xee: {  	v2 =	vld [tilespmem:s22+$0xFFFFFF10]  }
0xef: {  	v3 =	vld [tilespmem:s22+$0xFFFFFF30]  }
0xf0: {  	v4 =	vld [tilespmem:s22+$0xFFFFFF60]  }
0xf1: {  	v5 =	vld [tilespmem:s22+$0xFFFFFF40]  }
0xf2: {  	v6 =	vld [tilespmem:s22+$0xFFFFFF50]  }
0xf3: {  	v7 =	vld [tilespmem:s22+$0xFFFFFF20]  }
0xf4: {  	v0 =	vld.idx.msk [tilespmem:v0+s4+$0x0], $0xffff  }
0xf5: {  	v1 =	vld.idx.msk [tilespmem:v1+s4+$0x0], $0xffff  }
0xf6: {  	v2 =	vld.idx.msk [tilespmem:v2+s4+$0x0], $0xffff  }
0xf7: {  	v3 =	vld.idx.msk [tilespmem:v3+s4+$0x0], $0xffff  }
0xf8: {  	v4 =	vld.idx.msk [tilespmem:v4+s4+$0x0], $0xffff  }
0xf9: {  	v5 =	vld.idx.msk [tilespmem:v5+s4+$0x0], $0xffff  }
0xfa: {  	s23 =	simm.s32 $0x1C780;
	v6 =	vld.idx.msk [tilespmem:v6+s4+$0x0], $0xffff  }
0xfb: {  	v7 =	vld.idx.msk [tilespmem:v7+s4+$0x0], $0xffff;
	[tilespmem:s23+$0xFFFFFFF0] =	vst v1  }
0xfc: {  	[tilespmem:s23+$0xFFFFFF80] =	vst v2  }
0xfd: {  	[tilespmem:s23+$0xFFFFFFA0] =	vst v3  }
0xfe: {  	[tilespmem:s23+$0xFFFFFFD0] =	vst v4  }
0xff: {  	[tilespmem:s23+$0xFFFFFFC0] =	vst v6  }
0x100: {  	[tilespmem:s23+$0xFFFFFFB0] =	vst v5  }
0x101: {  	[tilespmem:s23+$0xFFFFFF90] =	vst v7  }
0x102: {  	[tilespmem:s23+$0xFFFFFFE0] =	vst v0  }
0x103: {  	v0 =	vld [tilespmem:s22+$0x0]  }
0x104: {  	v6 =	vld [tilespmem:s22+$0xFFFFFFA0]  }
0x105: {  	v7 =	vld [tilespmem:s22+$0xFFFFFFB0]  }
0x106: {  	v8 =	vld [tilespmem:s22+$0xFFFFFFF0]  }
0x107: {  	v5 =	vld [tilespmem:s22+$0xFFFFFFD0]  }
0x108: {  	v2 =	vld [tilespmem:s22+$0xFFFFFFE0]  }
0x109: {  	v3 =	vld [tilespmem:s22+$0xFFFFFF90]  }
0x10a: {  	v4 =	vld [tilespmem:s22+$0xFFFFFFC0]  }
0x10b: {  	v1 =	vld.idx.msk [tilespmem:v0+s4+$0x0], $0xffff  }
0x10c: {  	v0 =	vld.idx.msk [tilespmem:v6+s4+$0x0], $0xffff  }
0x10d: {  	v7 =	vld.idx.msk [tilespmem:v7+s4+$0x0], $0xffff  }
0x10e: {  	s25 =	simm.s32 $0x0;
	s24 =	simm.s32 $0x1C780;
	v6 =	vld.idx.msk [tilespmem:v8+s4+$0x0], $0xffff  }
.LBB2_7:
0x10f: {  	s25 =	sadd.s32 $0x2, s25;
	v5 =	vld.idx.msk [tilespmem:v5+s4+$0x0], $0xffff;
	s22 =	sadd.s32 $0x100, s22;
	s23 =	sadd.s32 $0x100, s23  }
0x110: {  	p0 =	slt.u32 s25, $0x1E;
	v2 =	vld.idx.msk [tilespmem:v2+s4+$0x0], $0xffff  }
0x111: {  	v3 =	vld.idx.msk [tilespmem:v3+s4+$0x0], $0xffff  }
0x112: {  	v4 =	vld.idx.msk [tilespmem:v4+s4+$0x0], $0xffff  }
0x113: {  	[tilespmem:s24+$0x20] =	vst v7  }
0x114: {  	[tilespmem:s24+$0x70] =	vst v1  }
0x115: {  	[tilespmem:s24+$0x60] =	vst v6  }
0x116: {  	[tilespmem:s24+$0x50] =	vst v2  }
0x117: {  	[tilespmem:s24+$0x0] =	vst v3  }
0x118: {  	[tilespmem:s24+$0x40] =	vst v5  }
0x119: {  	[tilespmem:s24+$0x30] =	vst v4  }
0x11a: {  	[tilespmem:s24+$0x10] =	vst v0;
	s24 =	smov.u32 s23  }
0x11b: {  	v0 =	vld [tilespmem:s22+$0xFFFFFF70]  }
0x11c: {  	v1 =	vld [tilespmem:s22+$0xFFFFFF80]  }
0x11d: {  	v2 =	vld [tilespmem:s22+$0xFFFFFF10]  }
0x11e: {  	v3 =	vld [tilespmem:s22+$0xFFFFFF30]  }
0x11f: {  	v4 =	vld [tilespmem:s22+$0xFFFFFF60]  }
0x120: {  	v5 =	vld [tilespmem:s22+$0xFFFFFF40]  }
0x121: {  	v6 =	vld [tilespmem:s22+$0xFFFFFF50]  }
0x122: {  	v7 =	vld [tilespmem:s22+$0xFFFFFF20]  }
0x123: {  	v0 =	vld.idx.msk [tilespmem:v0+s4+$0x0], $0xffff  }
0x124: {  	v1 =	vld.idx.msk [tilespmem:v1+s4+$0x0], $0xffff  }
0x125: {  	v2 =	vld.idx.msk [tilespmem:v2+s4+$0x0], $0xffff  }
0x126: {  	v3 =	vld.idx.msk [tilespmem:v3+s4+$0x0], $0xffff  }
0x127: {  	v4 =	vld.idx.msk [tilespmem:v4+s4+$0x0], $0xffff  }
0x128: {  	v5 =	vld.idx.msk [tilespmem:v5+s4+$0x0], $0xffff  }
0x129: {  	v6 =	vld.idx.msk [tilespmem:v6+s4+$0x0], $0xffff  }
0x12a: {  	v7 =	vld.idx.msk [tilespmem:v7+s4+$0x0], $0xffff  }
0x12b: {  	[tilespmem:s23+$0xFFFFFFF0] =	vst v1  }
0x12c: {  	[tilespmem:s23+$0xFFFFFF80] =	vst v2  }
0x12d: {  	[tilespmem:s23+$0xFFFFFFA0] =	vst v3  }
0x12e: {  	[tilespmem:s23+$0xFFFFFFD0] =	vst v4  }
0x12f: {  	[tilespmem:s23+$0xFFFFFFC0] =	vst v6  }
0x130: {  	[tilespmem:s23+$0xFFFFFFB0] =	vst v5  }
0x131: {  	[tilespmem:s23+$0xFFFFFF90] =	vst v7  }
0x132: {  	[tilespmem:s23+$0xFFFFFFE0] =	vst v0  }
0x133: {  	v0 =	vld [tilespmem:s22+$0x0]  }
0x134: {  	v6 =	vld [tilespmem:s22+$0xFFFFFFA0]  }
0x135: {  	v7 =	vld [tilespmem:s22+$0xFFFFFFB0]  }
0x136: {  	v8 =	vld [tilespmem:s22+$0xFFFFFFF0]  }
0x137: {  	v5 =	vld [tilespmem:s22+$0xFFFFFFD0]  }
0x138: {  	v2 =	vld [tilespmem:s22+$0xFFFFFFE0]  }
0x139: {  	v3 =	vld [tilespmem:s22+$0xFFFFFF90]  }
.Ltmp2:
0x13a: {  	v4 =	vld [tilespmem:s22+$0xFFFFFFC0];
	(pc) =	sbr.rel @p0 .LBB2_7-.Ltmp2, $4  }
0x13b: {  	v1 =	vld.idx.msk [tilespmem:v0+s4+$0x0], $0xffff  }
0x13c: {  	v0 =	vld.idx.msk [tilespmem:v6+s4+$0x0], $0xffff  }
0x13d: {  	v7 =	vld.idx.msk [tilespmem:v7+s4+$0x0], $0xffff  }
0x13e: {  	v6 =	vld.idx.msk [tilespmem:v8+s4+$0x0], $0xffff  }
0x13f: {  	_ =	sdelay $0x3  }
0x140: {  	v5 =	vld.idx.msk [tilespmem:v5+s4+$0x0], $0xffff  }
0x141: {  	v2 =	vld.idx.msk [tilespmem:v2+s4+$0x0], $0xffff  }
0x142: {  	v3 =	vld.idx.msk [tilespmem:v3+s4+$0x0], $0xffff  }
0x143: {  	v4 =	vld.idx.msk [tilespmem:v4+s4+$0x0], $0xffff;
	[tilespmem:s24+$0x70] =	vst v1  }
0x144: {  	[tilespmem:s24+$0x10] =	vst v0  }
0x145: {  	[tilespmem:s24+$0x20] =	vst v7  }
0x146: {  	[tilespmem:s24+$0x60] =	vst v6  }
0x147: {  	[tilespmem:s24+$0x50] =	vst v2  }
0x148: {  	[tilespmem:s24+$0x0] =	vst v3  }
0x149: {  	[tilespmem:s24+$0x40] =	vst v5  }
0x14a: {  	s22 =	sadd.s32 s21, s8;
	[tilespmem:s24+$0x30] =	vst v4  }
0x14b: {  	[hbm4b:s22+s11] =	stream.strided.scatter [tilespmem:s14], [sflag:$0x2], $0x1000, s12, s11, $0x38;
	[tilespmem:$0x1E700] =	vst v63  }
0x14c: {  	_ =	swait.ge [sflag:s17], $0x1000  }
0x14d: {  	[sflag:s17] =	ssyncset.done $0x0  }
0x14e: {  	s22 =	simm.s32 $0x1B7F0;
	[sflag:s17] =	ssyncadd.s32 $0xFFFFF000  }
0x14f: {  	v0 =	vld [tilespmem:s22+$0xFFFFFF70]  }
0x150: {  	v1 =	vld [tilespmem:s22+$0xFFFFFF80]  }
0x151: {  	v2 =	vld [tilespmem:s22+$0xFFFFFF10]  }
0x152: {  	v3 =	vld [tilespmem:s22+$0xFFFFFF30]  }
0x153: {  	v4 =	vld [tilespmem:s22+$0xFFFFFF60]  }
0x154: {  	v5 =	vld [tilespmem:s22+$0xFFFFFF40]  }
0x155: {  	v6 =	vld [tilespmem:s22+$0xFFFFFF50]  }
0x156: {  	v7 =	vld [tilespmem:s22+$0xFFFFFF20]  }
0x157: {  	v0 =	vld.idx.msk [tilespmem:v0+s4+$0x0], $0xffff  }
0x158: {  	v1 =	vld.idx.msk [tilespmem:v1+s4+$0x0], $0xffff  }
0x159: {  	v2 =	vld.idx.msk [tilespmem:v2+s4+$0x0], $0xffff  }
0x15a: {  	v3 =	vld.idx.msk [tilespmem:v3+s4+$0x0], $0xffff  }
0x15b: {  	v4 =	vld.idx.msk [tilespmem:v4+s4+$0x0], $0xffff  }
0x15c: {  	v5 =	vld.idx.msk [tilespmem:v5+s4+$0x0], $0xffff  }
0x15d: {  	s23 =	simm.s32 $0x1D780;
	v6 =	vld.idx.msk [tilespmem:v6+s4+$0x0], $0xffff  }
0x15e: {  	v7 =	vld.idx.msk [tilespmem:v7+s4+$0x0], $0xffff;
	[tilespmem:s23+$0xFFFFFFF0] =	vst v1  }
0x15f: {  	[tilespmem:s23+$0xFFFFFF80] =	vst v2  }
0x160: {  	[tilespmem:s23+$0xFFFFFFA0] =	vst v3  }
0x161: {  	[tilespmem:s23+$0xFFFFFFD0] =	vst v4  }
0x162: {  	[tilespmem:s23+$0xFFFFFFC0] =	vst v6  }
0x163: {  	[tilespmem:s23+$0xFFFFFFB0] =	vst v5  }
0x164: {  	[tilespmem:s23+$0xFFFFFF90] =	vst v7  }
0x165: {  	[tilespmem:s23+$0xFFFFFFE0] =	vst v0  }
0x166: {  	v0 =	vld [tilespmem:s22+$0x0]  }
0x167: {  	v6 =	vld [tilespmem:s22+$0xFFFFFFA0]  }
0x168: {  	v7 =	vld [tilespmem:s22+$0xFFFFFFB0]  }
0x169: {  	v8 =	vld [tilespmem:s22+$0xFFFFFFF0]  }
0x16a: {  	v5 =	vld [tilespmem:s22+$0xFFFFFFD0]  }
0x16b: {  	v2 =	vld [tilespmem:s22+$0xFFFFFFE0]  }
0x16c: {  	v3 =	vld [tilespmem:s22+$0xFFFFFF90]  }
0x16d: {  	v4 =	vld [tilespmem:s22+$0xFFFFFFC0]  }
0x16e: {  	v1 =	vld.idx.msk [tilespmem:v0+s4+$0x0], $0xffff  }
0x16f: {  	v0 =	vld.idx.msk [tilespmem:v6+s4+$0x0], $0xffff  }
0x170: {  	v7 =	vld.idx.msk [tilespmem:v7+s4+$0x0], $0xffff  }
0x171: {  	s25 =	simm.s32 $0x0;
	s24 =	simm.s32 $0x1D780;
	v6 =	vld.idx.msk [tilespmem:v8+s4+$0x0], $0xffff  }
.LBB2_9:
0x172: {  	s25 =	sadd.s32 $0x2, s25;
	v5 =	vld.idx.msk [tilespmem:v5+s4+$0x0], $0xffff;
	s22 =	sadd.s32 $0x100, s22;
	s23 =	sadd.s32 $0x100, s23  }
0x173: {  	p0 =	slt.u32 s25, $0x1E;
	v2 =	vld.idx.msk [tilespmem:v2+s4+$0x0], $0xffff  }
0x174: {  	v3 =	vld.idx.msk [tilespmem:v3+s4+$0x0], $0xffff  }
0x175: {  	v4 =	vld.idx.msk [tilespmem:v4+s4+$0x0], $0xffff  }
0x176: {  	[tilespmem:s24+$0x20] =	vst v7  }
0x177: {  	[tilespmem:s24+$0x70] =	vst v1  }
0x178: {  	[tilespmem:s24+$0x60] =	vst v6  }
0x179: {  	[tilespmem:s24+$0x50] =	vst v2  }
0x17a: {  	[tilespmem:s24+$0x0] =	vst v3  }
0x17b: {  	[tilespmem:s24+$0x40] =	vst v5  }
0x17c: {  	[tilespmem:s24+$0x30] =	vst v4  }
0x17d: {  	[tilespmem:s24+$0x10] =	vst v0;
	s24 =	smov.u32 s23  }
0x17e: {  	v0 =	vld [tilespmem:s22+$0xFFFFFF70]  }
0x17f: {  	v1 =	vld [tilespmem:s22+$0xFFFFFF80]  }
0x180: {  	v2 =	vld [tilespmem:s22+$0xFFFFFF10]  }
0x181: {  	v3 =	vld [tilespmem:s22+$0xFFFFFF30]  }
0x182: {  	v4 =	vld [tilespmem:s22+$0xFFFFFF60]  }
0x183: {  	v5 =	vld [tilespmem:s22+$0xFFFFFF40]  }
0x184: {  	v6 =	vld [tilespmem:s22+$0xFFFFFF50]  }
0x185: {  	v7 =	vld [tilespmem:s22+$0xFFFFFF20]  }
0x186: {  	v0 =	vld.idx.msk [tilespmem:v0+s4+$0x0], $0xffff  }
0x187: {  	v1 =	vld.idx.msk [tilespmem:v1+s4+$0x0], $0xffff  }
0x188: {  	v2 =	vld.idx.msk [tilespmem:v2+s4+$0x0], $0xffff  }
0x189: {  	v3 =	vld.idx.msk [tilespmem:v3+s4+$0x0], $0xffff  }
0x18a: {  	v4 =	vld.idx.msk [tilespmem:v4+s4+$0x0], $0xffff  }
0x18b: {  	v5 =	vld.idx.msk [tilespmem:v5+s4+$0x0], $0xffff  }
0x18c: {  	v6 =	vld.idx.msk [tilespmem:v6+s4+$0x0], $0xffff  }
0x18d: {  	v7 =	vld.idx.msk [tilespmem:v7+s4+$0x0], $0xffff  }
0x18e: {  	[tilespmem:s23+$0xFFFFFFF0] =	vst v1  }
0x18f: {  	[tilespmem:s23+$0xFFFFFF80] =	vst v2  }
0x190: {  	[tilespmem:s23+$0xFFFFFFA0] =	vst v3  }
0x191: {  	[tilespmem:s23+$0xFFFFFFD0] =	vst v4  }
0x192: {  	[tilespmem:s23+$0xFFFFFFC0] =	vst v6  }
0x193: {  	[tilespmem:s23+$0xFFFFFFB0] =	vst v5  }
0x194: {  	[tilespmem:s23+$0xFFFFFF90] =	vst v7  }
0x195: {  	[tilespmem:s23+$0xFFFFFFE0] =	vst v0  }
0x196: {  	v0 =	vld [tilespmem:s22+$0x0]  }
0x197: {  	v6 =	vld [tilespmem:s22+$0xFFFFFFA0]  }
0x198: {  	v7 =	vld [tilespmem:s22+$0xFFFFFFB0]  }
0x199: {  	v8 =	vld [tilespmem:s22+$0xFFFFFFF0]  }
0x19a: {  	v5 =	vld [tilespmem:s22+$0xFFFFFFD0]  }
0x19b: {  	v2 =	vld [tilespmem:s22+$0xFFFFFFE0]  }
0x19c: {  	v3 =	vld [tilespmem:s22+$0xFFFFFF90]  }
.Ltmp3:
0x19d: {  	v4 =	vld [tilespmem:s22+$0xFFFFFFC0];
	(pc) =	sbr.rel @p0 .LBB2_9-.Ltmp3, $4  }
0x19e: {  	v1 =	vld.idx.msk [tilespmem:v0+s4+$0x0], $0xffff  }
0x19f: {  	v0 =	vld.idx.msk [tilespmem:v6+s4+$0x0], $0xffff  }
0x1a0: {  	v7 =	vld.idx.msk [tilespmem:v7+s4+$0x0], $0xffff  }
0x1a1: {  	v6 =	vld.idx.msk [tilespmem:v8+s4+$0x0], $0xffff  }
0x1a2: {  	_ =	sdelay $0x3  }
0x1a3: {  	v5 =	vld.idx.msk [tilespmem:v5+s4+$0x0], $0xffff  }
0x1a4: {  	v2 =	vld.idx.msk [tilespmem:v2+s4+$0x0], $0xffff  }
0x1a5: {  	v3 =	vld.idx.msk [tilespmem:v3+s4+$0x0], $0xffff  }
0x1a6: {  	v4 =	vld.idx.msk [tilespmem:v4+s4+$0x0], $0xffff;
	[tilespmem:s24+$0x70] =	vst v1  }
0x1a7: {  	[tilespmem:s24+$0x10] =	vst v0  }
0x1a8: {  	s19 =	sadd.s32 $0x1, s19;
	[tilespmem:s24+$0x20] =	vst v7  }
0x1a9: {  	p0 =	sne.s32 s19, $0x1A;
	[tilespmem:s24+$0x60] =	vst v6  }
.Ltmp4:
0x1aa: {  	[tilespmem:s24+$0x50] =	vst v2;
	(pc) =	sbr.rel @p0 .LBB2_2-.Ltmp4, $4  }
0x1ab: {  	[tilespmem:s24+$0x0] =	vst v3  }
0x1ac: {  	[tilespmem:s24+$0x40] =	vst v5  }
0x1ad: {  	s21 =	sadd.s32 s21, s9;
	[tilespmem:s24+$0x30] =	vst v4  }
0x1ae: {  	[hbm4b:s21+s11] =	stream.strided.scatter [tilespmem:s15], [sflag:$0x3], $0x1000, s12, s11, $0x38;
	[tilespmem:$0x1E700] =	vst v63  }
0x1af: {  	s18 =	sadd.s32 $0x1, s18  }
0x1b0: {  	_ =	swait.ge [sflag:s16], $0x1000;
	p0 =	sne.s32 s18, s10  }
.Ltmp5:
0x1b1: {  	[sflag:s16] =	ssyncset.done $0x0;
	(pc) =	sbr.rel @p0 .LBB2_1-.Ltmp5, $4  }
0x1b2: {  	[sflag:s16] =	ssyncadd.s32 $0xFFFFF000  }
0x1b3: {  	_ =	swait.ge [sflag:s17], $0x1000  }
0x1b4: {  	[sflag:s17] =	ssyncset.done $0x0  }
0x1b5: {  	[sflag:s17] =	ssyncadd.s32 $0xFFFFF000  }
0x1b6: {  	_ =	sfence.sel $0x180000  }
0x1b7: {  	[bflag:$0x0] =	sbarrier.arrive $0xFFFF  }
0x1b8: {  	p0 =	sne.s32 s3, $0x0;
	_ =	strace $0x90000047  }
0x1b9: {  	s0 =	sadd.s32 @!p0 $0x100000, s0;
	[bflag:$0x2] =	sbarrier.arrive $0xFFFF  }
0x1ba: {  	[sflag:s0] =	ssyncadd.tile.s32 @!p0 $0x1;
	_ =	shalt  }
.Lfunc_end2:
_tile_overlayer_lowered:
.L_overlay_start_2:
0x1bb: {  	(tag) =	ssettag $0x2  }
0x1bc: {  	s0 =	rddreg [dreg:$0x0];
	s2 =	stileid.u32  }
0x1bd: {  	s1 =	rddreg [dreg:$0x1];
	p0 =	sne.s32 s2, $0x0  }
0x1be: {  	s3 =	rddreg [dreg:$0x2];
	[bflag:$0x3] =	sbarrier.arrive $0xFFFF;
	s2 =	simm.s32 @!p0 $0x1C04  }
0x1bf: {  	[timem:s3], [sflag:s2] =	dma.local @!p0 [hbm:s0], s1  }
0x1c0: {  	s0 =	simm.s32 @!p0 $0x4  }
0x1c1: {  	_ =	swait.ge @!p0 [sflag:s0], s1  }
0x1c2: {  	s1 =	ssub.s32 @!p0 $0x0, s1;
	[sflag:s0] =	ssyncset.done @!p0 $0x0  }
0x1c3: {  	[sflag:s0] =	ssyncadd.s32 @!p0 s1  }
0x1c4: {  	[bflag:$0x3] =	sbarrier.arrive $0xFFFF  }
0x1c5: {  	_ =	shalt  }

</sc_bundles>
